<compile_context>
chip_gen: v7x
topology: tpu7x:2x2x1
jax: 0.10.2.dev20260603
libtpu: 0.0.44.dev20260713+nightly
codegen_flags: <defaults>
</compile_context>

<pallas_src>
import functools
import math

import jax
import jax.numpy as jnp
from jax import lax
from jax.experimental import pallas as pl
from jax.experimental.pallas import tpu as pltpu
from jax.experimental.pallas import tpu_sc as plsc

D_MODEL = 64
VOCAB = 1000
BATCH = 16384
HIST = 50
SCALE = math.sqrt(D_MODEL)

NC = 2
NS = 16
NW = NC * NS

B_TOTAL = BATCH * HIST
B_PER_W = B_TOTAL // NW
BATCH_PER_W = BATCH // NW
NB = 8
CHUNK = NB * HIST
NCHUNK = BATCH_PER_W // NB
NBUF = 2


def _scale_body(t_ref, o_ref):
    o_ref[...] = t_ref[...] * SCALE


def _scale_table(table):
    flat = table.reshape(VOCAB * D_MODEL // 128, 128)
    out = pl.pallas_call(
        _scale_body,
        out_shape=jax.ShapeDtypeStruct(flat.shape, jnp.float32),
    )(flat)
    return out.reshape(VOCAB, D_MODEL)


def _gather_body(idx_hbm, table_hbm, out_hbm, idx_v, rows_v, table_sh, *sems):
    gsems, wsems = sems[:NBUF], sems[NBUF:]
    cid = lax.axis_index("c")
    sid = lax.axis_index("s")
    wid = sid * NC + cid
    base = wid * B_PER_W
    bbase = wid * BATCH_PER_W

    @pl.when(sid == 0)
    def _():
        pltpu.sync_copy(table_hbm, table_sh)

    pltpu.sync_copy(idx_hbm.at[pl.ds(base, B_PER_W)], idx_v)
    plsc.subcore_barrier()

    def gather_desc(c, b):
        return pltpu.make_async_copy(
            table_sh.at[idx_v.at[pl.ds(c * CHUNK, CHUNK)]],
            rows_v.at[b],
            gsems[b],
        )

    def write_descs(c, b):
        return [
            pltpu.make_async_copy(
                rows_v.at[b, pl.ds(n * HIST, HIST)],
                out_hbm.at[bbase + c * NB + n],
                wsems[b],
            )
            for n in range(NB)
        ]

    for b in range(NBUF):
        gather_desc(b, b).start()

    def body(g, _):
        c0 = g * NBUF
        for b in range(NBUF):
            gather_desc(c0 + b, b).wait()
            for d in write_descs(c0 + b, b):
                d.start()
        for b in range(NBUF):
            @pl.when(c0 + b + NBUF < NCHUNK)
            def _():
                for d in write_descs(c0 + b, b):
                    d.wait()
                gather_desc(c0 + b + NBUF, b).start()
        return 0

    lax.fori_loop(0, NCHUNK // NBUF, body, 0)
    for b in range(NBUF):
        for d in write_descs(NCHUNK - NBUF + b, b):
            d.wait()


def kernel(x, table):
    idx = x.reshape(B_TOTAL).astype(jnp.int32)
    scaled = _scale_table(table)
    mesh = plsc.VectorSubcoreMesh(core_axis_name="c", subcore_axis_name="s")
    gather = functools.partial(
        pl.kernel,
        mesh=mesh,
        out_type=jax.ShapeDtypeStruct((BATCH, HIST, D_MODEL), jnp.float32),
        scratch_types=[
            pltpu.VMEM((B_PER_W,), jnp.int32),
            pltpu.VMEM((NBUF, CHUNK, D_MODEL), jnp.float32),
            pltpu.VMEM_SHARED((VOCAB, D_MODEL), jnp.float32),
        ] + [pltpu.SemaphoreType.DMA] * (2 * NBUF),
        compiler_params=pltpu.CompilerParams(use_tc_tiling_on_sc=False),
    )(_gather_body)
    return gather(idx, scaled)

# --- scband reference (transcript-rebuilt; emitter-appended) ---
"""Pipeline reference for scband-embeddings-52785148068640 (READ-ONLY COPY).

The authoritative reference and input builder live on the scoring server;
editing this copy changes nothing except your own understanding.
"""

import jax, jax.numpy as jnp
import numpy as np
import math

D_MODEL = 64
VOCAB = 1000
BATCH = 16384
HIST = 50

def setup_inputs(seed: int = 0) -> dict:
    key = jax.random.key(seed)
    k1, k2 = jax.random.split(key)
    x = jax.random.randint(k1, (BATCH, HIST), 0, VOCAB)
    table = jax.random.normal(k2, (VOCAB, D_MODEL), dtype=jnp.float32)
    return {"x": x, "table": table}

def reference(x, table):
    # Embeddings.forward: self.lut(x) * sqrt(d_model)
    return jnp.take(table, x, axis=0) * math.sqrt(D_MODEL)

if __name__ == "__main__":
    import jax
    _d = setup_inputs()
    print(jax.jit(kernel)(*tuple(_d.values())))

</pallas_src>

<mosaic_0001>
#map = affine_map<(d0, d1) -> (0)>
#map1 = affine_map<(d0, d1) -> (0, 0)>
#map2 = affine_map<(d0, d1) -> (0, 0, 0)>
module attributes {stable_mosaic.version = 14 : i64} {
  func.func @_gather_body(%arg0: i32, %arg1: i32, %arg2: memref<819200xi32, #tpu.memory_space<hbm>>, %arg3: memref<1000x64xf32, #tpu.memory_space<hbm>>, %arg4: memref<16384x50x64xf32, #tpu.memory_space<hbm>>, %arg5: memref<25600xi32, #tpu.memory_space<vmem>>, %arg6: memref<2x400x64xf32, #tpu.memory_space<vmem>>, %arg7: memref<1000x64xf32, #tpu.memory_space<vmem_shared>>, %arg8: memref<!tpu.dma_semaphore, #tpu.memory_space<semaphore_mem>>, %arg9: memref<!tpu.dma_semaphore, #tpu.memory_space<semaphore_mem>>, %arg10: memref<!tpu.dma_semaphore, #tpu.memory_space<semaphore_mem>>, %arg11: memref<!tpu.dma_semaphore, #tpu.memory_space<semaphore_mem>>) attributes {dimension_semantics = [#tpu.dimension_semantics<core_parallel>, #tpu.dimension_semantics<subcore_parallel>], iteration_bounds = array<i64: 2, 16>, scalar_prefetch = 0 : i64, scratch_operands = 7 : i64, tpu.core_type = #tpu.core_type<sc_vector_subcore>, window_params = [{transform_indices = #map}, {transform_indices = #map1}, {transform_indices = #map2}]} {
    %mul3A = arith.constant 2 : i32
    %mul3A_0 = arith.muli %arg1, %mul3A : i32
    %add3A = arith.addi %mul3A_0, %arg0 : i32
    %mul3A_1 = arith.constant 25600 : i32
    %mul3A_2 = arith.muli %add3A, %mul3A_1 : i32
    %mul3A_3 = arith.constant 512 : i32
    %mul3A_4 = arith.muli %add3A, %mul3A_3 : i32
    %eq3A = arith.constant 0 : i32
    %eq3A_5 = arith.cmpi eq, %arg1, %eq3A : i32
    %convert_element_type3A = arith.extui %eq3A_5 : i1 to i32
    %cond3A = arith.constant 0 : i32
    %cond3A_6 = arith.cmpi ne, %convert_element_type3A, %cond3A : i32
    scf.if %cond3A_6 {
      "tpu.region"() ({
        %run_scoped3A = tpu.sem_alloc : memref<!tpu.dma_semaphore, #tpu.memory_space<semaphore_mem>>
        tpu.enqueue_dma source(%arg3 : memref<1000x64xf32, #tpu.memory_space<hbm>>) target(%arg7 : memref<1000x64xf32, #tpu.memory_space<vmem_shared>>) target_semaphore(%run_scoped3A : memref<!tpu.dma_semaphore, #tpu.memory_space<semaphore_mem>>)
        tpu.wait_dma2 semaphore(%run_scoped3A : memref<!tpu.dma_semaphore, #tpu.memory_space<semaphore_mem>>) src(%arg3 : memref<1000x64xf32, #tpu.memory_space<hbm>>) dst(%arg7 : memref<1000x64xf32, #tpu.memory_space<vmem_shared>>)
        tpu.yield
      }) : () -> ()
    } else {
    }
    "tpu.region"() ({
      %run_scoped3A = tpu.sem_alloc : memref<!tpu.dma_semaphore, #tpu.memory_space<semaphore_mem>>
      %dma_start3A_367 = tpu.memref_slice %arg2[%mul3A_2] : memref<819200xi32, #tpu.memory_space<hbm>> -> memref<25600xi32, #tpu.memory_space<hbm>>
      %dma_start3A_368 = tpu.memref_slice %arg2[%mul3A_2] : memref<819200xi32, #tpu.memory_space<hbm>> -> memref<25600xi32, #tpu.memory_space<hbm>>
      tpu.enqueue_dma source(%dma_start3A_368 : memref<25600xi32, #tpu.memory_space<hbm>>) target(%arg5 : memref<25600xi32, #tpu.memory_space<vmem>>) target_semaphore(%run_scoped3A : memref<!tpu.dma_semaphore, #tpu.memory_space<semaphore_mem>>)
      %dma_wait3A_369 = tpu.memref_slice %arg2[%mul3A_2] : memref<819200xi32, #tpu.memory_space<hbm>> -> memref<25600xi32, #tpu.memory_space<hbm>>
      %dma_wait3A_370 = tpu.memref_slice %arg2[%mul3A_2] : memref<819200xi32, #tpu.memory_space<hbm>> -> memref<25600xi32, #tpu.memory_space<hbm>>
      tpu.wait_dma2 semaphore(%run_scoped3A : memref<!tpu.dma_semaphore, #tpu.memory_space<semaphore_mem>>) src(%dma_wait3A_370 : memref<25600xi32, #tpu.memory_space<hbm>>) dst(%arg5 : memref<25600xi32, #tpu.memory_space<vmem>>)
      tpu.yield
    }) : () -> ()
    %barrier3A = arith.constant 0 : index
    tpu.barrier barrier_id(%barrier3A)
    %dma_start3A = arith.constant 0 : i32
    %dma_start3A_7 = arith.constant 0 : i32
    %dma_start3A_8 = arith.constant 0 : i32
    %dma_start3A_9 = tpu.memref_slice %arg6[%dma_start3A, %dma_start3A_7, %dma_start3A_8] : memref<2x400x64xf32, #tpu.memory_space<vmem>> -> memref<1x400x64xf32, #tpu.memory_space<vmem>>
    %dma_start3A_10 = tpu.memref_squeeze %dma_start3A_9 : memref<1x400x64xf32, #tpu.memory_space<vmem>> -> memref<400x64xf32, #tpu.memory_space<vmem>>
    %dma_start3A_11 = arith.constant 0 : i32
    %dma_start3A_12 = tpu.memref_slice %arg5[%dma_start3A_11] : memref<25600xi32, #tpu.memory_space<vmem>> -> memref<400xi32, #tpu.memory_space<vmem>>
    %dma_start3A_13 = arith.constant 0 : i32
    %dma_start3A_14 = arith.constant 0 : i32
    %dma_start3A_15 = tpu.memref_slice %arg7[%dma_start3A_13, %dma_start3A_14] : memref<1000x64xf32, #tpu.memory_space<vmem_shared>> -> memref<1000x64xf32, #tpu.memory_space<vmem_shared>>
    tpu.enqueue_indirect_dma source(%dma_start3A_15 : memref<1000x64xf32, #tpu.memory_space<vmem_shared>>) target(%dma_start3A_10 : memref<400x64xf32, #tpu.memory_space<vmem>>) offsets(%dma_start3A_12 : memref<400xi32, #tpu.memory_space<vmem>>) semaphore(%arg8 : memref<!tpu.dma_semaphore, #tpu.memory_space<semaphore_mem>>)
    %dma_start3A_16 = arith.constant 1 : i32
    %dma_start3A_17 = arith.constant 0 : i32
    %dma_start3A_18 = arith.constant 0 : i32
    %dma_start3A_19 = tpu.memref_slice %arg6[%dma_start3A_16, %dma_start3A_17, %dma_start3A_18] : memref<2x400x64xf32, #tpu.memory_space<vmem>> -> memref<1x400x64xf32, #tpu.memory_space<vmem>>
    %dma_start3A_20 = tpu.memref_squeeze %dma_start3A_19 : memref<1x400x64xf32, #tpu.memory_space<vmem>> -> memref<400x64xf32, #tpu.memory_space<vmem>>
    %dma_start3A_21 = arith.constant 400 : i32
    %dma_start3A_22 = tpu.memref_slice %arg5[%dma_start3A_21] : memref<25600xi32, #tpu.memory_space<vmem>> -> memref<400xi32, #tpu.memory_space<vmem>>
    %dma_start3A_23 = arith.constant 0 : i32
    %dma_start3A_24 = arith.constant 0 : i32
    %dma_start3A_25 = tpu.memref_slice %arg7[%dma_start3A_23, %dma_start3A_24] : memref<1000x64xf32, #tpu.memory_space<vmem_shared>> -> memref<1000x64xf32, #tpu.memory_space<vmem_shared>>
    tpu.enqueue_indirect_dma source(%dma_start3A_25 : memref<1000x64xf32, #tpu.memory_space<vmem_shared>>) target(%dma_start3A_20 : memref<400x64xf32, #tpu.memory_space<vmem>>) offsets(%dma_start3A_22 : memref<400xi32, #tpu.memory_space<vmem>>) semaphore(%arg9 : memref<!tpu.dma_semaphore, #tpu.memory_space<semaphore_mem>>)
    %scan3A = arith.constant 0 : i32
    %scan3A_26 = arith.constant 0 : i32
    %scan3A_27 = arith.constant 32 : i32
    %scan3A_28 = arith.addi %scan3A_26, %scan3A_27 : i32
    %scan3A_29 = arith.constant 1 : i32
    %scan3A_30 = scf.for %scan3A_367 = %scan3A_26 to %scan3A_28 step %scan3A_29 iter_args(%scan3A_368 = %scan3A) -> (i32)  : i32 {
      %mul3A_369 = arith.constant 2 : i32
      %mul3A_370 = arith.muli %scan3A_367, %mul3A_369 : i32
      %add3A_371 = arith.constant 0 : i32
      %add3A_372 = arith.addi %mul3A_370, %add3A_371 : i32
      %mul3A_373 = arith.constant 400 : i32
      %mul3A_374 = arith.muli %add3A_372, %mul3A_373 : i32
      %dma_wait3A_375 = arith.constant 0 : i32
      %dma_wait3A_376 = arith.constant 0 : i32
      %dma_wait3A_377 = arith.constant 0 : i32
      %dma_wait3A_378 = tpu.memref_slice %arg6[%dma_wait3A_375, %dma_wait3A_376, %dma_wait3A_377] : memref<2x400x64xf32, #tpu.memory_space<vmem>> -> memref<1x400x64xf32, #tpu.memory_space<vmem>>
      %dma_wait3A_379 = tpu.memref_squeeze %dma_wait3A_378 : memref<1x400x64xf32, #tpu.memory_space<vmem>> -> memref<400x64xf32, #tpu.memory_space<vmem>>
      %dma_wait3A_380 = tpu.memref_slice %arg5[%mul3A_374] : memref<25600xi32, #tpu.memory_space<vmem>> -> memref<400xi32, #tpu.memory_space<vmem>>
      %dma_wait3A_381 = arith.constant 0 : i32
      %dma_wait3A_382 = arith.constant 0 : i32
      %dma_wait3A_383 = tpu.memref_slice %arg7[%dma_wait3A_381, %dma_wait3A_382] : memref<1000x64xf32, #tpu.memory_space<vmem_shared>> -> memref<1000x64xf32, #tpu.memory_space<vmem_shared>>
      tpu.wait_indirect_dma semaphore(%arg8 : memref<!tpu.dma_semaphore, #tpu.memory_space<semaphore_mem>>) src(%dma_wait3A_383 : memref<1000x64xf32, #tpu.memory_space<vmem_shared>>) dst(%dma_wait3A_379 : memref<400x64xf32, #tpu.memory_space<vmem>>)
      %add3A_384 = arith.constant 0 : i32
      %add3A_385 = arith.addi %mul3A_370, %add3A_384 : i32
      %mul3A_386 = arith.constant 8 : i32
      %mul3A_387 = arith.muli %add3A_385, %mul3A_386 : i32
      %add3A_388 = arith.addi %mul3A_4, %mul3A_387 : i32
      %add3A_389 = arith.constant 0 : i32
      %add3A_390 = arith.addi %add3A_388, %add3A_389 : i32
      %mul3A_391 = arith.constant 8 : i32
      %mul3A_392 = arith.muli %add3A_385, %mul3A_391 : i32
      %add3A_393 = arith.addi %mul3A_4, %mul3A_392 : i32
      %add3A_394 = arith.constant 1 : i32
      %add3A_395 = arith.addi %add3A_393, %add3A_394 : i32
      %mul3A_396 = arith.constant 8 : i32
      %mul3A_397 = arith.muli %add3A_385, %mul3A_396 : i32
      %add3A_398 = arith.addi %mul3A_4, %mul3A_397 : i32
      %add3A_399 = arith.constant 2 : i32
      %add3A_400 = arith.addi %add3A_398, %add3A_399 : i32
      %mul3A_401 = arith.constant 8 : i32
      %mul3A_402 = arith.muli %add3A_385, %mul3A_401 : i32
      %add3A_403 = arith.addi %mul3A_4, %mul3A_402 : i32
      %add3A_404 = arith.constant 3 : i32
      %add3A_405 = arith.addi %add3A_403, %add3A_404 : i32
      %mul3A_406 = arith.constant 8 : i32
      %mul3A_407 = arith.muli %add3A_385, %mul3A_406 : i32
      %add3A_408 = arith.addi %mul3A_4, %mul3A_407 : i32
      %add3A_409 = arith.constant 4 : i32
      %add3A_410 = arith.addi %add3A_408, %add3A_409 : i32
      %mul3A_411 = arith.constant 8 : i32
      %mul3A_412 = arith.muli %add3A_385, %mul3A_411 : i32
      %add3A_413 = arith.addi %mul3A_4, %mul3A_412 : i32
      %add3A_414 = arith.constant 5 : i32
      %add3A_415 = arith.addi %add3A_413, %add3A_414 : i32
      %mul3A_416 = arith.constant 8 : i32
      %mul3A_417 = arith.muli %add3A_385, %mul3A_416 : i32
      %add3A_418 = arith.addi %mul3A_4, %mul3A_417 : i32
      %add3A_419 = arith.constant 6 : i32
      %add3A_420 = arith.addi %add3A_418, %add3A_419 : i32
      %mul3A_421 = arith.constant 8 : i32
      %mul3A_422 = arith.muli %add3A_385, %mul3A_421 : i32
      %add3A_423 = arith.addi %mul3A_4, %mul3A_422 : i32
      %add3A_424 = arith.constant 7 : i32
      %add3A_425 = arith.addi %add3A_423, %add3A_424 : i32
      %dma_start3A_426 = arith.constant 0 : i32
      %dma_start3A_427 = arith.constant 0 : i32
      %dma_start3A_428 = arith.constant 0 : i32
      %dma_start3A_429 = tpu.memref_slice %arg6[%dma_start3A_426, %dma_start3A_427, %dma_start3A_428] : memref<2x400x64xf32, #tpu.memory_space<vmem>> -> memref<1x50x64xf32, #tpu.memory_space<vmem>>
      %dma_start3A_430 = tpu.memref_squeeze %dma_start3A_429 : memref<1x50x64xf32, #tpu.memory_space<vmem>> -> memref<50x64xf32, #tpu.memory_space<vmem>>
      %dma_start3A_431 = arith.constant 0 : i32
      %dma_start3A_432 = arith.constant 0 : i32
      %dma_start3A_433 = tpu.memref_slice %arg4[%add3A_390, %dma_start3A_431, %dma_start3A_432] : memref<16384x50x64xf32, #tpu.memory_space<hbm>> -> memref<1x50x64xf32, #tpu.memory_space<hbm>>
      %dma_start3A_434 = tpu.memref_squeeze %dma_start3A_433 : memref<1x50x64xf32, #tpu.memory_space<hbm>> -> memref<50x64xf32, #tpu.memory_space<hbm>>
      %dma_start3A_435 = arith.constant 0 : i32
      %dma_start3A_436 = arith.constant 0 : i32
      %dma_start3A_437 = tpu.memref_slice %arg4[%add3A_390, %dma_start3A_435, %dma_start3A_436] : memref<16384x50x64xf32, #tpu.memory_space<hbm>> -> memref<1x50x64xf32, #tpu.memory_space<hbm>>
      %dma_start3A_438 = tpu.memref_squeeze %dma_start3A_437 : memref<1x50x64xf32, #tpu.memory_space<hbm>> -> memref<50x64xf32, #tpu.memory_space<hbm>>
      %dma_start3A_439 = arith.constant 0 : i32
      %dma_start3A_440 = arith.constant 0 : i32
      %dma_start3A_441 = tpu.memref_slice %arg6[%dma_start3A_426, %dma_start3A_439, %dma_start3A_440] : memref<2x400x64xf32, #tpu.memory_space<vmem>> -> memref<1x50x64xf32, #tpu.memory_space<vmem>>
      %dma_start3A_442 = tpu.memref_squeeze %dma_start3A_441 : memref<1x50x64xf32, #tpu.memory_space<vmem>> -> memref<50x64xf32, #tpu.memory_space<vmem>>
      tpu.enqueue_dma source(%dma_start3A_442 : memref<50x64xf32, #tpu.memory_space<vmem>>) target(%dma_start3A_438 : memref<50x64xf32, #tpu.memory_space<hbm>>) target_semaphore(%arg10 : memref<!tpu.dma_semaphore, #tpu.memory_space<semaphore_mem>>)
      %dma_start3A_443 = arith.constant 0 : i32
      %dma_start3A_444 = arith.constant 50 : i32
      %dma_start3A_445 = arith.constant 0 : i32
      %dma_start3A_446 = tpu.memref_slice %arg6[%dma_start3A_443, %dma_start3A_444, %dma_start3A_445] : memref<2x400x64xf32, #tpu.memory_space<vmem>> -> memref<1x50x64xf32, #tpu.memory_space<vmem>>
      %dma_start3A_447 = tpu.memref_squeeze %dma_start3A_446 : memref<1x50x64xf32, #tpu.memory_space<vmem>> -> memref<50x64xf32, #tpu.memory_space<vmem>>
      %dma_start3A_448 = arith.constant 0 : i32
      %dma_start3A_449 = arith.constant 0 : i32
      %dma_start3A_450 = tpu.memref_slice %arg4[%add3A_395, %dma_start3A_448, %dma_start3A_449] : memref<16384x50x64xf32, #tpu.memory_space<hbm>> -> memref<1x50x64xf32, #tpu.memory_space<hbm>>
      %dma_start3A_451 = tpu.memref_squeeze %dma_start3A_450 : memref<1x50x64xf32, #tpu.memory_space<hbm>> -> memref<50x64xf32, #tpu.memory_space<hbm>>
      %dma_start3A_452 = arith.constant 0 : i32
      %dma_start3A_453 = arith.constant 0 : i32
      %dma_start3A_454 = tpu.memref_slice %arg4[%add3A_395, %dma_start3A_452, %dma_start3A_453] : memref<16384x50x64xf32, #tpu.memory_space<hbm>> -> memref<1x50x64xf32, #tpu.memory_space<hbm>>
      %dma_start3A_455 = tpu.memref_squeeze %dma_start3A_454 : memref<1x50x64xf32, #tpu.memory_space<hbm>> -> memref<50x64xf32, #tpu.memory_space<hbm>>
      %dma_start3A_456 = arith.constant 50 : i32
      %dma_start3A_457 = arith.constant 0 : i32
      %dma_start3A_458 = tpu.memref_slice %arg6[%dma_start3A_443, %dma_start3A_456, %dma_start3A_457] : memref<2x400x64xf32, #tpu.memory_space<vmem>> -> memref<1x50x64xf32, #tpu.memory_space<vmem>>
      %dma_start3A_459 = tpu.memref_squeeze %dma_start3A_458 : memref<1x50x64xf32, #tpu.memory_space<vmem>> -> memref<50x64xf32, #tpu.memory_space<vmem>>
      tpu.enqueue_dma source(%dma_start3A_459 : memref<50x64xf32, #tpu.memory_space<vmem>>) target(%dma_start3A_455 : memref<50x64xf32, #tpu.memory_space<hbm>>) target_semaphore(%arg10 : memref<!tpu.dma_semaphore, #tpu.memory_space<semaphore_mem>>)
      %dma_start3A_460 = arith.constant 0 : i32
      %dma_start3A_461 = arith.constant 100 : i32
      %dma_start3A_462 = arith.constant 0 : i32
      %dma_start3A_463 = tpu.memref_slice %arg6[%dma_start3A_460, %dma_start3A_461, %dma_start3A_462] : memref<2x400x64xf32, #tpu.memory_space<vmem>> -> memref<1x50x64xf32, #tpu.memory_space<vmem>>
      %dma_start3A_464 = tpu.memref_squeeze %dma_start3A_463 : memref<1x50x64xf32, #tpu.memory_space<vmem>> -> memref<50x64xf32, #tpu.memory_space<vmem>>
      %dma_start3A_465 = arith.constant 0 : i32
      %dma_start3A_466 = arith.constant 0 : i32
      %dma_start3A_467 = tpu.memref_slice %arg4[%add3A_400, %dma_start3A_465, %dma_start3A_466] : memref<16384x50x64xf32, #tpu.memory_space<hbm>> -> memref<1x50x64xf32, #tpu.memory_space<hbm>>
      %dma_start3A_468 = tpu.memref_squeeze %dma_start3A_467 : memref<1x50x64xf32, #tpu.memory_space<hbm>> -> memref<50x64xf32, #tpu.memory_space<hbm>>
      %dma_start3A_469 = arith.constant 0 : i32
      %dma_start3A_470 = arith.constant 0 : i32
      %dma_start3A_471 = tpu.memref_slice %arg4[%add3A_400, %dma_start3A_469, %dma_start3A_470] : memref<16384x50x64xf32, #tpu.memory_space<hbm>> -> memref<1x50x64xf32, #tpu.memory_space<hbm>>
      %dma_start3A_472 = tpu.memref_squeeze %dma_start3A_471 : memref<1x50x64xf32, #tpu.memory_space<hbm>> -> memref<50x64xf32, #tpu.memory_space<hbm>>
      %dma_start3A_473 = arith.constant 100 : i32
      %dma_start3A_474 = arith.constant 0 : i32
      %dma_start3A_475 = tpu.memref_slice %arg6[%dma_start3A_460, %dma_start3A_473, %dma_start3A_474] : memref<2x400x64xf32, #tpu.memory_space<vmem>> -> memref<1x50x64xf32, #tpu.memory_space<vmem>>
      %dma_start3A_476 = tpu.memref_squeeze %dma_start3A_475 : memref<1x50x64xf32, #tpu.memory_space<vmem>> -> memref<50x64xf32, #tpu.memory_space<vmem>>
      tpu.enqueue_dma source(%dma_start3A_476 : memref<50x64xf32, #tpu.memory_space<vmem>>) target(%dma_start3A_472 : memref<50x64xf32, #tpu.memory_space<hbm>>) target_semaphore(%arg10 : memref<!tpu.dma_semaphore, #tpu.memory_space<semaphore_mem>>)
      %dma_start3A_477 = arith.constant 0 : i32
      %dma_start3A_478 = arith.constant 150 : i32
      %dma_start3A_479 = arith.constant 0 : i32
      %dma_start3A_480 = tpu.memref_slice %arg6[%dma_start3A_477, %dma_start3A_478, %dma_start3A_479] : memref<2x400x64xf32, #tpu.memory_space<vmem>> -> memref<1x50x64xf32, #tpu.memory_space<vmem>>
      %dma_start3A_481 = tpu.memref_squeeze %dma_start3A_480 : memref<1x50x64xf32, #tpu.memory_space<vmem>> -> memref<50x64xf32, #tpu.memory_space<vmem>>
      %dma_start3A_482 = arith.constant 0 : i32
      %dma_start3A_483 = arith.constant 0 : i32
      %dma_start3A_484 = tpu.memref_slice %arg4[%add3A_405, %dma_start3A_482, %dma_start3A_483] : memref<16384x50x64xf32, #tpu.memory_space<hbm>> -> memref<1x50x64xf32, #tpu.memory_space<hbm>>
      %dma_start3A_485 = tpu.memref_squeeze %dma_start3A_484 : memref<1x50x64xf32, #tpu.memory_space<hbm>> -> memref<50x64xf32, #tpu.memory_space<hbm>>
      %dma_start3A_486 = arith.constant 0 : i32
      %dma_start3A_487 = arith.constant 0 : i32
      %dma_start3A_488 = tpu.memref_slice %arg4[%add3A_405, %dma_start3A_486, %dma_start3A_487] : memref<16384x50x64xf32, #tpu.memory_space<hbm>> -> memref<1x50x64xf32, #tpu.memory_space<hbm>>
      %dma_start3A_489 = tpu.memref_squeeze %dma_start3A_488 : memref<1x50x64xf32, #tpu.memory_space<hbm>> -> memref<50x64xf32, #tpu.memory_space<hbm>>
      %dma_start3A_490 = arith.constant 150 : i32
      %dma_start3A_491 = arith.constant 0 : i32
      %dma_start3A_492 = tpu.memref_slice %arg6[%dma_start3A_477, %dma_start3A_490, %dma_start3A_491] : memref<2x400x64xf32, #tpu.memory_space<vmem>> -> memref<1x50x64xf32, #tpu.memory_space<vmem>>
      %dma_start3A_493 = tpu.memref_squeeze %dma_start3A_492 : memref<1x50x64xf32, #tpu.memory_space<vmem>> -> memref<50x64xf32, #tpu.memory_space<vmem>>
      tpu.enqueue_dma source(%dma_start3A_493 : memref<50x64xf32, #tpu.memory_space<vmem>>) target(%dma_start3A_489 : memref<50x64xf32, #tpu.memory_space<hbm>>) target_semaphore(%arg10 : memref<!tpu.dma_semaphore, #tpu.memory_space<semaphore_mem>>)
      %dma_start3A_494 = arith.constant 0 : i32
      %dma_start3A_495 = arith.constant 200 : i32
      %dma_start3A_496 = arith.constant 0 : i32
      %dma_start3A_497 = tpu.memref_slice %arg6[%dma_start3A_494, %dma_start3A_495, %dma_start3A_496] : memref<2x400x64xf32, #tpu.memory_space<vmem>> -> memref<1x50x64xf32, #tpu.memory_space<vmem>>
      %dma_start3A_498 = tpu.memref_squeeze %dma_start3A_497 : memref<1x50x64xf32, #tpu.memory_space<vmem>> -> memref<50x64xf32, #tpu.memory_space<vmem>>
      %dma_start3A_499 = arith.constant 0 : i32
      %dma_start3A_500 = arith.constant 0 : i32
      %dma_start3A_501 = tpu.memref_slice %arg4[%add3A_410, %dma_start3A_499, %dma_start3A_500] : memref<16384x50x64xf32, #tpu.memory_space<hbm>> -> memref<1x50x64xf32, #tpu.memory_space<hbm>>
      %dma_start3A_502 = tpu.memref_squeeze %dma_start3A_501 : memref<1x50x64xf32, #tpu.memory_space<hbm>> -> memref<50x64xf32, #tpu.memory_space<hbm>>
      %dma_start3A_503 = arith.constant 0 : i32
      %dma_start3A_504 = arith.constant 0 : i32
      %dma_start3A_505 = tpu.memref_slice %arg4[%add3A_410, %dma_start3A_503, %dma_start3A_504] : memref<16384x50x64xf32, #tpu.memory_space<hbm>> -> memref<1x50x64xf32, #tpu.memory_space<hbm>>
      %dma_start3A_506 = tpu.memref_squeeze %dma_start3A_505 : memref<1x50x64xf32, #tpu.memory_space<hbm>> -> memref<50x64xf32, #tpu.memory_space<hbm>>
      %dma_start3A_507 = arith.constant 200 : i32
      %dma_start3A_508 = arith.constant 0 : i32
      %dma_start3A_509 = tpu.memref_slice %arg6[%dma_start3A_494, %dma_start3A_507, %dma_start3A_508] : memref<2x400x64xf32, #tpu.memory_space<vmem>> -> memref<1x50x64xf32, #tpu.memory_space<vmem>>
      %dma_start3A_510 = tpu.memref_squeeze %dma_start3A_509 : memref<1x50x64xf32, #tpu.memory_space<vmem>> -> memref<50x64xf32, #tpu.memory_space<vmem>>
      tpu.enqueue_dma source(%dma_start3A_510 : memref<50x64xf32, #tpu.memory_space<vmem>>) target(%dma_start3A_506 : memref<50x64xf32, #tpu.memory_space<hbm>>) target_semaphore(%arg10 : memref<!tpu.dma_semaphore, #tpu.memory_space<semaphore_mem>>)
      %dma_start3A_511 = arith.constant 0 : i32
      %dma_start3A_512 = arith.constant 250 : i32
      %dma_start3A_513 = arith.constant 0 : i32
      %dma_start3A_514 = tpu.memref_slice %arg6[%dma_start3A_511, %dma_start3A_512, %dma_start3A_513] : memref<2x400x64xf32, #tpu.memory_space<vmem>> -> memref<1x50x64xf32, #tpu.memory_space<vmem>>
      %dma_start3A_515 = tpu.memref_squeeze %dma_start3A_514 : memref<1x50x64xf32, #tpu.memory_space<vmem>> -> memref<50x64xf32, #tpu.memory_space<vmem>>
      %dma_start3A_516 = arith.constant 0 : i32
      %dma_start3A_517 = arith.constant 0 : i32
      %dma_start3A_518 = tpu.memref_slice %arg4[%add3A_415, %dma_start3A_516, %dma_start3A_517] : memref<16384x50x64xf32, #tpu.memory_space<hbm>> -> memref<1x50x64xf32, #tpu.memory_space<hbm>>
      %dma_start3A_519 = tpu.memref_squeeze %dma_start3A_518 : memref<1x50x64xf32, #tpu.memory_space<hbm>> -> memref<50x64xf32, #tpu.memory_space<hbm>>
      %dma_start3A_520 = arith.constant 0 : i32
      %dma_start3A_521 = arith.constant 0 : i32
      %dma_start3A_522 = tpu.memref_slice %arg4[%add3A_415, %dma_start3A_520, %dma_start3A_521] : memref<16384x50x64xf32, #tpu.memory_space<hbm>> -> memref<1x50x64xf32, #tpu.memory_space<hbm>>
      %dma_start3A_523 = tpu.memref_squeeze %dma_start3A_522 : memref<1x50x64xf32, #tpu.memory_space<hbm>> -> memref<50x64xf32, #tpu.memory_space<hbm>>
      %dma_start3A_524 = arith.constant 250 : i32
      %dma_start3A_525 = arith.constant 0 : i32
      %dma_start3A_526 = tpu.memref_slice %arg6[%dma_start3A_511, %dma_start3A_524, %dma_start3A_525] : memref<2x400x64xf32, #tpu.memory_space<vmem>> -> memref<1x50x64xf32, #tpu.memory_space<vmem>>
      %dma_start3A_527 = tpu.memref_squeeze %dma_start3A_526 : memref<1x50x64xf32, #tpu.memory_space<vmem>> -> memref<50x64xf32, #tpu.memory_space<vmem>>
      tpu.enqueue_dma source(%dma_start3A_527 : memref<50x64xf32, #tpu.memory_space<vmem>>) target(%dma_start3A_523 : memref<50x64xf32, #tpu.memory_space<hbm>>) target_semaphore(%arg10 : memref<!tpu.dma_semaphore, #tpu.memory_space<semaphore_mem>>)
      %dma_start3A_528 = arith.constant 0 : i32
      %dma_start3A_529 = arith.constant 300 : i32
      %dma_start3A_530 = arith.constant 0 : i32
      %dma_start3A_531 = tpu.memref_slice %arg6[%dma_start3A_528, %dma_start3A_529, %dma_start3A_530] : memref<2x400x64xf32, #tpu.memory_space<vmem>> -> memref<1x50x64xf32, #tpu.memory_space<vmem>>
      %dma_start3A_532 = tpu.memref_squeeze %dma_start3A_531 : memref<1x50x64xf32, #tpu.memory_space<vmem>> -> memref<50x64xf32, #tpu.memory_space<vmem>>
      %dma_start3A_533 = arith.constant 0 : i32
      %dma_start3A_534 = arith.constant 0 : i32
      %dma_start3A_535 = tpu.memref_slice %arg4[%add3A_420, %dma_start3A_533, %dma_start3A_534] : memref<16384x50x64xf32, #tpu.memory_space<hbm>> -> memref<1x50x64xf32, #tpu.memory_space<hbm>>
      %dma_start3A_536 = tpu.memref_squeeze %dma_start3A_535 : memref<1x50x64xf32, #tpu.memory_space<hbm>> -> memref<50x64xf32, #tpu.memory_space<hbm>>
      %dma_start3A_537 = arith.constant 0 : i32
      %dma_start3A_538 = arith.constant 0 : i32
      %dma_start3A_539 = tpu.memref_slice %arg4[%add3A_420, %dma_start3A_537, %dma_start3A_538] : memref<16384x50x64xf32, #tpu.memory_space<hbm>> -> memref<1x50x64xf32, #tpu.memory_space<hbm>>
      %dma_start3A_540 = tpu.memref_squeeze %dma_start3A_539 : memref<1x50x64xf32, #tpu.memory_space<hbm>> -> memref<50x64xf32, #tpu.memory_space<hbm>>
      %dma_start3A_541 = arith.constant 300 : i32
      %dma_start3A_542 = arith.constant 0 : i32
      %dma_start3A_543 = tpu.memref_slice %arg6[%dma_start3A_528, %dma_start3A_541, %dma_start3A_542] : memref<2x400x64xf32, #tpu.memory_space<vmem>> -> memref<1x50x64xf32, #tpu.memory_space<vmem>>
      %dma_start3A_544 = tpu.memref_squeeze %dma_start3A_543 : memref<1x50x64xf32, #tpu.memory_space<vmem>> -> memref<50x64xf32, #tpu.memory_space<vmem>>
      tpu.enqueue_dma source(%dma_start3A_544 : memref<50x64xf32, #tpu.memory_space<vmem>>) target(%dma_start3A_540 : memref<50x64xf32, #tpu.memory_space<hbm>>) target_semaphore(%arg10 : memref<!tpu.dma_semaphore, #tpu.memory_space<semaphore_mem>>)
      %dma_start3A_545 = arith.constant 0 : i32
      %dma_start3A_546 = arith.constant 350 : i32
      %dma_start3A_547 = arith.constant 0 : i32
      %dma_start3A_548 = tpu.memref_slice %arg6[%dma_start3A_545, %dma_start3A_546, %dma_start3A_547] : memref<2x400x64xf32, #tpu.memory_space<vmem>> -> memref<1x50x64xf32, #tpu.memory_space<vmem>>
      %dma_start3A_549 = tpu.memref_squeeze %dma_start3A_548 : memref<1x50x64xf32, #tpu.memory_space<vmem>> -> memref<50x64xf32, #tpu.memory_space<vmem>>
      %dma_start3A_550 = arith.constant 0 : i32
      %dma_start3A_551 = arith.constant 0 : i32
      %dma_start3A_552 = tpu.memref_slice %arg4[%add3A_425, %dma_start3A_550, %dma_start3A_551] : memref<16384x50x64xf32, #tpu.memory_space<hbm>> -> memref<1x50x64xf32, #tpu.memory_space<hbm>>
      %dma_start3A_553 = tpu.memref_squeeze %dma_start3A_552 : memref<1x50x64xf32, #tpu.memory_space<hbm>> -> memref<50x64xf32, #tpu.memory_space<hbm>>
      %dma_start3A_554 = arith.constant 0 : i32
      %dma_start3A_555 = arith.constant 0 : i32
      %dma_start3A_556 = tpu.memref_slice %arg4[%add3A_425, %dma_start3A_554, %dma_start3A_555] : memref<16384x50x64xf32, #tpu.memory_space<hbm>> -> memref<1x50x64xf32, #tpu.memory_space<hbm>>
      %dma_start3A_557 = tpu.memref_squeeze %dma_start3A_556 : memref<1x50x64xf32, #tpu.memory_space<hbm>> -> memref<50x64xf32, #tpu.memory_space<hbm>>
      %dma_start3A_558 = arith.constant 350 : i32
      %dma_start3A_559 = arith.constant 0 : i32
      %dma_start3A_560 = tpu.memref_slice %arg6[%dma_start3A_545, %dma_start3A_558, %dma_start3A_559] : memref<2x400x64xf32, #tpu.memory_space<vmem>> -> memref<1x50x64xf32, #tpu.memory_space<vmem>>
      %dma_start3A_561 = tpu.memref_squeeze %dma_start3A_560 : memref<1x50x64xf32, #tpu.memory_space<vmem>> -> memref<50x64xf32, #tpu.memory_space<vmem>>
      tpu.enqueue_dma source(%dma_start3A_561 : memref<50x64xf32, #tpu.memory_space<vmem>>) target(%dma_start3A_557 : memref<50x64xf32, #tpu.memory_space<hbm>>) target_semaphore(%arg10 : memref<!tpu.dma_semaphore, #tpu.memory_space<semaphore_mem>>)
      %add3A_562 = arith.constant 1 : i32
      %add3A_563 = arith.addi %mul3A_370, %add3A_562 : i32
      %mul3A_564 = arith.constant 400 : i32
      %mul3A_565 = arith.muli %add3A_563, %mul3A_564 : i32
      %dma_wait3A_566 = arith.constant 1 : i32
      %dma_wait3A_567 = arith.constant 0 : i32
      %dma_wait3A_568 = arith.constant 0 : i32
      %dma_wait3A_569 = tpu.memref_slice %arg6[%dma_wait3A_566, %dma_wait3A_567, %dma_wait3A_568] : memref<2x400x64xf32, #tpu.memory_space<vmem>> -> memref<1x400x64xf32, #tpu.memory_space<vmem>>
      %dma_wait3A_570 = tpu.memref_squeeze %dma_wait3A_569 : memref<1x400x64xf32, #tpu.memory_space<vmem>> -> memref<400x64xf32, #tpu.memory_space<vmem>>
      %dma_wait3A_571 = tpu.memref_slice %arg5[%mul3A_565] : memref<25600xi32, #tpu.memory_space<vmem>> -> memref<400xi32, #tpu.memory_space<vmem>>
      %dma_wait3A_572 = arith.constant 0 : i32
      %dma_wait3A_573 = arith.constant 0 : i32
      %dma_wait3A_574 = tpu.memref_slice %arg7[%dma_wait3A_572, %dma_wait3A_573] : memref<1000x64xf32, #tpu.memory_space<vmem_shared>> -> memref<1000x64xf32, #tpu.memory_space<vmem_shared>>
      tpu.wait_indirect_dma semaphore(%arg9 : memref<!tpu.dma_semaphore, #tpu.memory_space<semaphore_mem>>) src(%dma_wait3A_574 : memref<1000x64xf32, #tpu.memory_space<vmem_shared>>) dst(%dma_wait3A_570 : memref<400x64xf32, #tpu.memory_space<vmem>>)
      %add3A_575 = arith.constant 1 : i32
      %add3A_576 = arith.addi %mul3A_370, %add3A_575 : i32
      %mul3A_577 = arith.constant 8 : i32
      %mul3A_578 = arith.muli %add3A_576, %mul3A_577 : i32
      %add3A_579 = arith.addi %mul3A_4, %mul3A_578 : i32
      %add3A_580 = arith.constant 0 : i32
      %add3A_581 = arith.addi %add3A_579, %add3A_580 : i32
      %mul3A_582 = arith.constant 8 : i32
      %mul3A_583 = arith.muli %add3A_576, %mul3A_582 : i32
      %add3A_584 = arith.addi %mul3A_4, %mul3A_583 : i32
      %add3A_585 = arith.constant 1 : i32
      %add3A_586 = arith.addi %add3A_584, %add3A_585 : i32
      %mul3A_587 = arith.constant 8 : i32
      %mul3A_588 = arith.muli %add3A_576, %mul3A_587 : i32
      %add3A_589 = arith.addi %mul3A_4, %mul3A_588 : i32
      %add3A_590 = arith.constant 2 : i32
      %add3A_591 = arith.addi %add3A_589, %add3A_590 : i32
      %mul3A_592 = arith.constant 8 : i32
      %mul3A_593 = arith.muli %add3A_576, %mul3A_592 : i32
      %add3A_594 = arith.addi %mul3A_4, %mul3A_593 : i32
      %add3A_595 = arith.constant 3 : i32
      %add3A_596 = arith.addi %add3A_594, %add3A_595 : i32
      %mul3A_597 = arith.constant 8 : i32
      %mul3A_598 = arith.muli %add3A_576, %mul3A_597 : i32
      %add3A_599 = arith.addi %mul3A_4, %mul3A_598 : i32
      %add3A_600 = arith.constant 4 : i32
      %add3A_601 = arith.addi %add3A_599, %add3A_600 : i32
      %mul3A_602 = arith.constant 8 : i32
      %mul3A_603 = arith.muli %add3A_576, %mul3A_602 : i32
      %add3A_604 = arith.addi %mul3A_4, %mul3A_603 : i32
      %add3A_605 = arith.constant 5 : i32
      %add3A_606 = arith.addi %add3A_604, %add3A_605 : i32
      %mul3A_607 = arith.constant 8 : i32
      %mul3A_608 = arith.muli %add3A_576, %mul3A_607 : i32
      %add3A_609 = arith.addi %mul3A_4, %mul3A_608 : i32
      %add3A_610 = arith.constant 6 : i32
      %add3A_611 = arith.addi %add3A_609, %add3A_610 : i32
      %mul3A_612 = arith.constant 8 : i32
      %mul3A_613 = arith.muli %add3A_576, %mul3A_612 : i32
      %add3A_614 = arith.addi %mul3A_4, %mul3A_613 : i32
      %add3A_615 = arith.constant 7 : i32
      %add3A_616 = arith.addi %add3A_614, %add3A_615 : i32
      %dma_start3A_617 = arith.constant 1 : i32
      %dma_start3A_618 = arith.constant 0 : i32
      %dma_start3A_619 = arith.constant 0 : i32
      %dma_start3A_620 = tpu.memref_slice %arg6[%dma_start3A_617, %dma_start3A_618, %dma_start3A_619] : memref<2x400x64xf32, #tpu.memory_space<vmem>> -> memref<1x50x64xf32, #tpu.memory_space<vmem>>
      %dma_start3A_621 = tpu.memref_squeeze %dma_start3A_620 : memref<1x50x64xf32, #tpu.memory_space<vmem>> -> memref<50x64xf32, #tpu.memory_space<vmem>>
      %dma_start3A_622 = arith.constant 0 : i32
      %dma_start3A_623 = arith.constant 0 : i32
      %dma_start3A_624 = tpu.memref_slice %arg4[%add3A_581, %dma_start3A_622, %dma_start3A_623] : memref<16384x50x64xf32, #tpu.memory_space<hbm>> -> memref<1x50x64xf32, #tpu.memory_space<hbm>>
      %dma_start3A_625 = tpu.memref_squeeze %dma_start3A_624 : memref<1x50x64xf32, #tpu.memory_space<hbm>> -> memref<50x64xf32, #tpu.memory_space<hbm>>
      %dma_start3A_626 = arith.constant 0 : i32
      %dma_start3A_627 = arith.constant 0 : i32
      %dma_start3A_628 = tpu.memref_slice %arg4[%add3A_581, %dma_start3A_626, %dma_start3A_627] : memref<16384x50x64xf32, #tpu.memory_space<hbm>> -> memref<1x50x64xf32, #tpu.memory_space<hbm>>
      %dma_start3A_629 = tpu.memref_squeeze %dma_start3A_628 : memref<1x50x64xf32, #tpu.memory_space<hbm>> -> memref<50x64xf32, #tpu.memory_space<hbm>>
      %dma_start3A_630 = arith.constant 0 : i32
      %dma_start3A_631 = arith.constant 0 : i32
      %dma_start3A_632 = tpu.memref_slice %arg6[%dma_start3A_617, %dma_start3A_630, %dma_start3A_631] : memref<2x400x64xf32, #tpu.memory_space<vmem>> -> memref<1x50x64xf32, #tpu.memory_space<vmem>>
      %dma_start3A_633 = tpu.memref_squeeze %dma_start3A_632 : memref<1x50x64xf32, #tpu.memory_space<vmem>> -> memref<50x64xf32, #tpu.memory_space<vmem>>
      tpu.enqueue_dma source(%dma_start3A_633 : memref<50x64xf32, #tpu.memory_space<vmem>>) target(%dma_start3A_629 : memref<50x64xf32, #tpu.memory_space<hbm>>) target_semaphore(%arg11 : memref<!tpu.dma_semaphore, #tpu.memory_space<semaphore_mem>>)
      %dma_start3A_634 = arith.constant 1 : i32
      %dma_start3A_635 = arith.constant 50 : i32
      %dma_start3A_636 = arith.constant 0 : i32
      %dma_start3A_637 = tpu.memref_slice %arg6[%dma_start3A_634, %dma_start3A_635, %dma_start3A_636] : memref<2x400x64xf32, #tpu.memory_space<vmem>> -> memref<1x50x64xf32, #tpu.memory_space<vmem>>
      %dma_start3A_638 = tpu.memref_squeeze %dma_start3A_637 : memref<1x50x64xf32, #tpu.memory_space<vmem>> -> memref<50x64xf32, #tpu.memory_space<vmem>>
      %dma_start3A_639 = arith.constant 0 : i32
      %dma_start3A_640 = arith.constant 0 : i32
      %dma_start3A_641 = tpu.memref_slice %arg4[%add3A_586, %dma_start3A_639, %dma_start3A_640] : memref<16384x50x64xf32, #tpu.memory_space<hbm>> -> memref<1x50x64xf32, #tpu.memory_space<hbm>>
      %dma_start3A_642 = tpu.memref_squeeze %dma_start3A_641 : memref<1x50x64xf32, #tpu.memory_space<hbm>> -> memref<50x64xf32, #tpu.memory_space<hbm>>
      %dma_start3A_643 = arith.constant 0 : i32
      %dma_start3A_644 = arith.constant 0 : i32
      %dma_start3A_645 = tpu.memref_slice %arg4[%add3A_586, %dma_start3A_643, %dma_start3A_644] : memref<16384x50x64xf32, #tpu.memory_space<hbm>> -> memref<1x50x64xf32, #tpu.memory_space<hbm>>
      %dma_start3A_646 = tpu.memref_squeeze %dma_start3A_645 : memref<1x50x64xf32, #tpu.memory_space<hbm>> -> memref<50x64xf32, #tpu.memory_space<hbm>>
      %dma_start3A_647 = arith.constant 50 : i32
      %dma_start3A_648 = arith.constant 0 : i32
      %dma_start3A_649 = tpu.memref_slice %arg6[%dma_start3A_634, %dma_start3A_647, %dma_start3A_648] : memref<2x400x64xf32, #tpu.memory_space<vmem>> -> memref<1x50x64xf32, #tpu.memory_space<vmem>>
      %dma_start3A_650 = tpu.memref_squeeze %dma_start3A_649 : memref<1x50x64xf32, #tpu.memory_space<vmem>> -> memref<50x64xf32, #tpu.memory_space<vmem>>
      tpu.enqueue_dma source(%dma_start3A_650 : memref<50x64xf32, #tpu.memory_space<vmem>>) target(%dma_start3A_646 : memref<50x64xf32, #tpu.memory_space<hbm>>) target_semaphore(%arg11 : memref<!tpu.dma_semaphore, #tpu.memory_space<semaphore_mem>>)
      %dma_start3A_651 = arith.constant 1 : i32
      %dma_start3A_652 = arith.constant 100 : i32
      %dma_start3A_653 = arith.constant 0 : i32
      %dma_start3A_654 = tpu.memref_slice %arg6[%dma_start3A_651, %dma_start3A_652, %dma_start3A_653] : memref<2x400x64xf32, #tpu.memory_space<vmem>> -> memref<1x50x64xf32, #tpu.memory_space<vmem>>
      %dma_start3A_655 = tpu.memref_squeeze %dma_start3A_654 : memref<1x50x64xf32, #tpu.memory_space<vmem>> -> memref<50x64xf32, #tpu.memory_space<vmem>>
      %dma_start3A_656 = arith.constant 0 : i32
      %dma_start3A_657 = arith.constant 0 : i32
      %dma_start3A_658 = tpu.memref_slice %arg4[%add3A_591, %dma_start3A_656, %dma_start3A_657] : memref<16384x50x64xf32, #tpu.memory_space<hbm>> -> memref<1x50x64xf32, #tpu.memory_space<hbm>>
      %dma_start3A_659 = tpu.memref_squeeze %dma_start3A_658 : memref<1x50x64xf32, #tpu.memory_space<hbm>> -> memref<50x64xf32, #tpu.memory_space<hbm>>
      %dma_start3A_660 = arith.constant 0 : i32
      %dma_start3A_661 = arith.constant 0 : i32
      %dma_start3A_662 = tpu.memref_slice %arg4[%add3A_591, %dma_start3A_660, %dma_start3A_661] : memref<16384x50x64xf32, #tpu.memory_space<hbm>> -> memref<1x50x64xf32, #tpu.memory_space<hbm>>
      %dma_start3A_663 = tpu.memref_squeeze %dma_start3A_662 : memref<1x50x64xf32, #tpu.memory_space<hbm>> -> memref<50x64xf32, #tpu.memory_space<hbm>>
      %dma_start3A_664 = arith.constant 100 : i32
      %dma_start3A_665 = arith.constant 0 : i32
      %dma_start3A_666 = tpu.memref_slice %arg6[%dma_start3A_651, %dma_start3A_664, %dma_start3A_665] : memref<2x400x64xf32, #tpu.memory_space<vmem>> -> memref<1x50x64xf32, #tpu.memory_space<vmem>>
      %dma_start3A_667 = tpu.memref_squeeze %dma_start3A_666 : memref<1x50x64xf32, #tpu.memory_space<vmem>> -> memref<50x64xf32, #tpu.memory_space<vmem>>
      tpu.enqueue_dma source(%dma_start3A_667 : memref<50x64xf32, #tpu.memory_space<vmem>>) target(%dma_start3A_663 : memref<50x64xf32, #tpu.memory_space<hbm>>) target_semaphore(%arg11 : memref<!tpu.dma_semaphore, #tpu.memory_space<semaphore_mem>>)
      %dma_start3A_668 = arith.constant 1 : i32
      %dma_start3A_669 = arith.constant 150 : i32
      %dma_start3A_670 = arith.constant 0 : i32
      %dma_start3A_671 = tpu.memref_slice %arg6[%dma_start3A_668, %dma_start3A_669, %dma_start3A_670] : memref<2x400x64xf32, #tpu.memory_space<vmem>> -> memref<1x50x64xf32, #tpu.memory_space<vmem>>
      %dma_start3A_672 = tpu.memref_squeeze %dma_start3A_671 : memref<1x50x64xf32, #tpu.memory_space<vmem>> -> memref<50x64xf32, #tpu.memory_space<vmem>>
      %dma_start3A_673 = arith.constant 0 : i32
      %dma_start3A_674 = arith.constant 0 : i32
      %dma_start3A_675 = tpu.memref_slice %arg4[%add3A_596, %dma_start3A_673, %dma_start3A_674] : memref<16384x50x64xf32, #tpu.memory_space<hbm>> -> memref<1x50x64xf32, #tpu.memory_space<hbm>>
      %dma_start3A_676 = tpu.memref_squeeze %dma_start3A_675 : memref<1x50x64xf32, #tpu.memory_space<hbm>> -> memref<50x64xf32, #tpu.memory_space<hbm>>
      %dma_start3A_677 = arith.constant 0 : i32
      %dma_start3A_678 = arith.constant 0 : i32
      %dma_start3A_679 = tpu.memref_slice %arg4[%add3A_596, %dma_start3A_677, %dma_start3A_678] : memref<16384x50x64xf32, #tpu.memory_space<hbm>> -> memref<1x50x64xf32, #tpu.memory_space<hbm>>
      %dma_start3A_680 = tpu.memref_squeeze %dma_start3A_679 : memref<1x50x64xf32, #tpu.memory_space<hbm>> -> memref<50x64xf32, #tpu.memory_space<hbm>>
      %dma_start3A_681 = arith.constant 150 : i32
      %dma_start3A_682 = arith.constant 0 : i32
      %dma_start3A_683 = tpu.memref_slice %arg6[%dma_start3A_668, %dma_start3A_681, %dma_start3A_682] : memref<2x400x64xf32, #tpu.memory_space<vmem>> -> memref<1x50x64xf32, #tpu.memory_space<vmem>>
      %dma_start3A_684 = tpu.memref_squeeze %dma_start3A_683 : memref<1x50x64xf32, #tpu.memory_space<vmem>> -> memref<50x64xf32, #tpu.memory_space<vmem>>
      tpu.enqueue_dma source(%dma_start3A_684 : memref<50x64xf32, #tpu.memory_space<vmem>>) target(%dma_start3A_680 : memref<50x64xf32, #tpu.memory_space<hbm>>) target_semaphore(%arg11 : memref<!tpu.dma_semaphore, #tpu.memory_space<semaphore_mem>>)
      %dma_start3A_685 = arith.constant 1 : i32
      %dma_start3A_686 = arith.constant 200 : i32
      %dma_start3A_687 = arith.constant 0 : i32
      %dma_start3A_688 = tpu.memref_slice %arg6[%dma_start3A_685, %dma_start3A_686, %dma_start3A_687] : memref<2x400x64xf32, #tpu.memory_space<vmem>> -> memref<1x50x64xf32, #tpu.memory_space<vmem>>
      %dma_start3A_689 = tpu.memref_squeeze %dma_start3A_688 : memref<1x50x64xf32, #tpu.memory_space<vmem>> -> memref<50x64xf32, #tpu.memory_space<vmem>>
      %dma_start3A_690 = arith.constant 0 : i32
      %dma_start3A_691 = arith.constant 0 : i32
      %dma_start3A_692 = tpu.memref_slice %arg4[%add3A_601, %dma_start3A_690, %dma_start3A_691] : memref<16384x50x64xf32, #tpu.memory_space<hbm>> -> memref<1x50x64xf32, #tpu.memory_space<hbm>>
      %dma_start3A_693 = tpu.memref_squeeze %dma_start3A_692 : memref<1x50x64xf32, #tpu.memory_space<hbm>> -> memref<50x64xf32, #tpu.memory_space<hbm>>
      %dma_start3A_694 = arith.constant 0 : i32
      %dma_start3A_695 = arith.constant 0 : i32
      %dma_start3A_696 = tpu.memref_slice %arg4[%add3A_601, %dma_start3A_694, %dma_start3A_695] : memref<16384x50x64xf32, #tpu.memory_space<hbm>> -> memref<1x50x64xf32, #tpu.memory_space<hbm>>
      %dma_start3A_697 = tpu.memref_squeeze %dma_start3A_696 : memref<1x50x64xf32, #tpu.memory_space<hbm>> -> memref<50x64xf32, #tpu.memory_space<hbm>>
      %dma_start3A_698 = arith.constant 200 : i32
      %dma_start3A_699 = arith.constant 0 : i32
      %dma_start3A_700 = tpu.memref_slice %arg6[%dma_start3A_685, %dma_start3A_698, %dma_start3A_699] : memref<2x400x64xf32, #tpu.memory_space<vmem>> -> memref<1x50x64xf32, #tpu.memory_space<vmem>>
      %dma_start3A_701 = tpu.memref_squeeze %dma_start3A_700 : memref<1x50x64xf32, #tpu.memory_space<vmem>> -> memref<50x64xf32, #tpu.memory_space<vmem>>
      tpu.enqueue_dma source(%dma_start3A_701 : memref<50x64xf32, #tpu.memory_space<vmem>>) target(%dma_start3A_697 : memref<50x64xf32, #tpu.memory_space<hbm>>) target_semaphore(%arg11 : memref<!tpu.dma_semaphore, #tpu.memory_space<semaphore_mem>>)
      %dma_start3A_702 = arith.constant 1 : i32
      %dma_start3A_703 = arith.constant 250 : i32
      %dma_start3A_704 = arith.constant 0 : i32
      %dma_start3A_705 = tpu.memref_slice %arg6[%dma_start3A_702, %dma_start3A_703, %dma_start3A_704] : memref<2x400x64xf32, #tpu.memory_space<vmem>> -> memref<1x50x64xf32, #tpu.memory_space<vmem>>
      %dma_start3A_706 = tpu.memref_squeeze %dma_start3A_705 : memref<1x50x64xf32, #tpu.memory_space<vmem>> -> memref<50x64xf32, #tpu.memory_space<vmem>>
      %dma_start3A_707 = arith.constant 0 : i32
      %dma_start3A_708 = arith.constant 0 : i32
      %dma_start3A_709 = tpu.memref_slice %arg4[%add3A_606, %dma_start3A_707, %dma_start3A_708] : memref<16384x50x64xf32, #tpu.memory_space<hbm>> -> memref<1x50x64xf32, #tpu.memory_space<hbm>>
      %dma_start3A_710 = tpu.memref_squeeze %dma_start3A_709 : memref<1x50x64xf32, #tpu.memory_space<hbm>> -> memref<50x64xf32, #tpu.memory_space<hbm>>
      %dma_start3A_711 = arith.constant 0 : i32
      %dma_start3A_712 = arith.constant 0 : i32
      %dma_start3A_713 = tpu.memref_slice %arg4[%add3A_606, %dma_start3A_711, %dma_start3A_712] : memref<16384x50x64xf32, #tpu.memory_space<hbm>> -> memref<1x50x64xf32, #tpu.memory_space<hbm>>
      %dma_start3A_714 = tpu.memref_squeeze %dma_start3A_713 : memref<1x50x64xf32, #tpu.memory_space<hbm>> -> memref<50x64xf32, #tpu.memory_space<hbm>>
      %dma_start3A_715 = arith.constant 250 : i32
      %dma_start3A_716 = arith.constant 0 : i32
      %dma_start3A_717 = tpu.memref_slice %arg6[%dma_start3A_702, %dma_start3A_715, %dma_start3A_716] : memref<2x400x64xf32, #tpu.memory_space<vmem>> -> memref<1x50x64xf32, #tpu.memory_space<vmem>>
      %dma_start3A_718 = tpu.memref_squeeze %dma_start3A_717 : memref<1x50x64xf32, #tpu.memory_space<vmem>> -> memref<50x64xf32, #tpu.memory_space<vmem>>
      tpu.enqueue_dma source(%dma_start3A_718 : memref<50x64xf32, #tpu.memory_space<vmem>>) target(%dma_start3A_714 : memref<50x64xf32, #tpu.memory_space<hbm>>) target_semaphore(%arg11 : memref<!tpu.dma_semaphore, #tpu.memory_space<semaphore_mem>>)
      %dma_start3A_719 = arith.constant 1 : i32
      %dma_start3A_720 = arith.constant 300 : i32
      %dma_start3A_721 = arith.constant 0 : i32
      %dma_start3A_722 = tpu.memref_slice %arg6[%dma_start3A_719, %dma_start3A_720, %dma_start3A_721] : memref<2x400x64xf32, #tpu.memory_space<vmem>> -> memref<1x50x64xf32, #tpu.memory_space<vmem>>
      %dma_start3A_723 = tpu.memref_squeeze %dma_start3A_722 : memref<1x50x64xf32, #tpu.memory_space<vmem>> -> memref<50x64xf32, #tpu.memory_space<vmem>>
      %dma_start3A_724 = arith.constant 0 : i32
      %dma_start3A_725 = arith.constant 0 : i32
      %dma_start3A_726 = tpu.memref_slice %arg4[%add3A_611, %dma_start3A_724, %dma_start3A_725] : memref<16384x50x64xf32, #tpu.memory_space<hbm>> -> memref<1x50x64xf32, #tpu.memory_space<hbm>>
      %dma_start3A_727 = tpu.memref_squeeze %dma_start3A_726 : memref<1x50x64xf32, #tpu.memory_space<hbm>> -> memref<50x64xf32, #tpu.memory_space<hbm>>
      %dma_start3A_728 = arith.constant 0 : i32
      %dma_start3A_729 = arith.constant 0 : i32
      %dma_start3A_730 = tpu.memref_slice %arg4[%add3A_611, %dma_start3A_728, %dma_start3A_729] : memref<16384x50x64xf32, #tpu.memory_space<hbm>> -> memref<1x50x64xf32, #tpu.memory_space<hbm>>
      %dma_start3A_731 = tpu.memref_squeeze %dma_start3A_730 : memref<1x50x64xf32, #tpu.memory_space<hbm>> -> memref<50x64xf32, #tpu.memory_space<hbm>>
      %dma_start3A_732 = arith.constant 300 : i32
      %dma_start3A_733 = arith.constant 0 : i32
      %dma_start3A_734 = tpu.memref_slice %arg6[%dma_start3A_719, %dma_start3A_732, %dma_start3A_733] : memref<2x400x64xf32, #tpu.memory_space<vmem>> -> memref<1x50x64xf32, #tpu.memory_space<vmem>>
      %dma_start3A_735 = tpu.memref_squeeze %dma_start3A_734 : memref<1x50x64xf32, #tpu.memory_space<vmem>> -> memref<50x64xf32, #tpu.memory_space<vmem>>
      tpu.enqueue_dma source(%dma_start3A_735 : memref<50x64xf32, #tpu.memory_space<vmem>>) target(%dma_start3A_731 : memref<50x64xf32, #tpu.memory_space<hbm>>) target_semaphore(%arg11 : memref<!tpu.dma_semaphore, #tpu.memory_space<semaphore_mem>>)
      %dma_start3A_736 = arith.constant 1 : i32
      %dma_start3A_737 = arith.constant 350 : i32
      %dma_start3A_738 = arith.constant 0 : i32
      %dma_start3A_739 = tpu.memref_slice %arg6[%dma_start3A_736, %dma_start3A_737, %dma_start3A_738] : memref<2x400x64xf32, #tpu.memory_space<vmem>> -> memref<1x50x64xf32, #tpu.memory_space<vmem>>
      %dma_start3A_740 = tpu.memref_squeeze %dma_start3A_739 : memref<1x50x64xf32, #tpu.memory_space<vmem>> -> memref<50x64xf32, #tpu.memory_space<vmem>>
      %dma_start3A_741 = arith.constant 0 : i32
      %dma_start3A_742 = arith.constant 0 : i32
      %dma_start3A_743 = tpu.memref_slice %arg4[%add3A_616, %dma_start3A_741, %dma_start3A_742] : memref<16384x50x64xf32, #tpu.memory_space<hbm>> -> memref<1x50x64xf32, #tpu.memory_space<hbm>>
      %dma_start3A_744 = tpu.memref_squeeze %dma_start3A_743 : memref<1x50x64xf32, #tpu.memory_space<hbm>> -> memref<50x64xf32, #tpu.memory_space<hbm>>
      %dma_start3A_745 = arith.constant 0 : i32
      %dma_start3A_746 = arith.constant 0 : i32
      %dma_start3A_747 = tpu.memref_slice %arg4[%add3A_616, %dma_start3A_745, %dma_start3A_746] : memref<16384x50x64xf32, #tpu.memory_space<hbm>> -> memref<1x50x64xf32, #tpu.memory_space<hbm>>
      %dma_start3A_748 = tpu.memref_squeeze %dma_start3A_747 : memref<1x50x64xf32, #tpu.memory_space<hbm>> -> memref<50x64xf32, #tpu.memory_space<hbm>>
      %dma_start3A_749 = arith.constant 350 : i32
      %dma_start3A_750 = arith.constant 0 : i32
      %dma_start3A_751 = tpu.memref_slice %arg6[%dma_start3A_736, %dma_start3A_749, %dma_start3A_750] : memref<2x400x64xf32, #tpu.memory_space<vmem>> -> memref<1x50x64xf32, #tpu.memory_space<vmem>>
      %dma_start3A_752 = tpu.memref_squeeze %dma_start3A_751 : memref<1x50x64xf32, #tpu.memory_space<vmem>> -> memref<50x64xf32, #tpu.memory_space<vmem>>
      tpu.enqueue_dma source(%dma_start3A_752 : memref<50x64xf32, #tpu.memory_space<vmem>>) target(%dma_start3A_748 : memref<50x64xf32, #tpu.memory_space<hbm>>) target_semaphore(%arg11 : memref<!tpu.dma_semaphore, #tpu.memory_space<semaphore_mem>>)
      %add3A_753 = arith.constant 0 : i32
      %add3A_754 = arith.addi %mul3A_370, %add3A_753 : i32
      %add3A_755 = arith.constant 2 : i32
      %add3A_756 = arith.addi %add3A_754, %add3A_755 : i32
      %lt3A = arith.constant 64 : i32
      %lt3A_757 = arith.cmpi slt, %add3A_756, %lt3A : i32
      %convert_element_type3A_758 = arith.extui %lt3A_757 : i1 to i32
      %cond3A_759 = arith.constant 0 : i32
      %cond3A_760 = arith.cmpi ne, %convert_element_type3A_758, %cond3A_759 : i32
      scf.if %cond3A_760 {
        %add3A_771 = arith.constant 0 : i32
        %add3A_772 = arith.addi %mul3A_370, %add3A_771 : i32
        %mul3A_773 = arith.constant 8 : i32
        %mul3A_774 = arith.muli %add3A_772, %mul3A_773 : i32
        %add3A_775 = arith.addi %mul3A_4, %mul3A_774 : i32
        %add3A_776 = arith.constant 0 : i32
        %add3A_777 = arith.addi %add3A_775, %add3A_776 : i32
        %mul3A_778 = arith.constant 8 : i32
        %mul3A_779 = arith.muli %add3A_772, %mul3A_778 : i32
        %add3A_780 = arith.addi %mul3A_4, %mul3A_779 : i32
        %add3A_781 = arith.constant 1 : i32
        %add3A_782 = arith.addi %add3A_780, %add3A_781 : i32
        %mul3A_783 = arith.constant 8 : i32
        %mul3A_784 = arith.muli %add3A_772, %mul3A_783 : i32
        %add3A_785 = arith.addi %mul3A_4, %mul3A_784 : i32
        %add3A_786 = arith.constant 2 : i32
        %add3A_787 = arith.addi %add3A_785, %add3A_786 : i32
        %mul3A_788 = arith.constant 8 : i32
        %mul3A_789 = arith.muli %add3A_772, %mul3A_788 : i32
        %add3A_790 = arith.addi %mul3A_4, %mul3A_789 : i32
        %add3A_791 = arith.constant 3 : i32
        %add3A_792 = arith.addi %add3A_790, %add3A_791 : i32
        %mul3A_793 = arith.constant 8 : i32
        %mul3A_794 = arith.muli %add3A_772, %mul3A_793 : i32
        %add3A_795 = arith.addi %mul3A_4, %mul3A_794 : i32
        %add3A_796 = arith.constant 4 : i32
        %add3A_797 = arith.addi %add3A_795, %add3A_796 : i32
        %mul3A_798 = arith.constant 8 : i32
        %mul3A_799 = arith.muli %add3A_772, %mul3A_798 : i32
        %add3A_800 = arith.addi %mul3A_4, %mul3A_799 : i32
        %add3A_801 = arith.constant 5 : i32
        %add3A_802 = arith.addi %add3A_800, %add3A_801 : i32
        %mul3A_803 = arith.constant 8 : i32
        %mul3A_804 = arith.muli %add3A_772, %mul3A_803 : i32
        %add3A_805 = arith.addi %mul3A_4, %mul3A_804 : i32
        %add3A_806 = arith.constant 6 : i32
        %add3A_807 = arith.addi %add3A_805, %add3A_806 : i32
        %mul3A_808 = arith.constant 8 : i32
        %mul3A_809 = arith.muli %add3A_772, %mul3A_808 : i32
        %add3A_810 = arith.addi %mul3A_4, %mul3A_809 : i32
        %add3A_811 = arith.constant 7 : i32
        %add3A_812 = arith.addi %add3A_810, %add3A_811 : i32
        %dma_wait3A_813 = arith.constant 0 : i32
        %dma_wait3A_814 = arith.constant 0 : i32
        %dma_wait3A_815 = arith.constant 0 : i32
        %dma_wait3A_816 = tpu.memref_slice %arg6[%dma_wait3A_813, %dma_wait3A_814, %dma_wait3A_815] : memref<2x400x64xf32, #tpu.memory_space<vmem>> -> memref<1x50x64xf32, #tpu.memory_space<vmem>>
        %dma_wait3A_817 = tpu.memref_squeeze %dma_wait3A_816 : memref<1x50x64xf32, #tpu.memory_space<vmem>> -> memref<50x64xf32, #tpu.memory_space<vmem>>
        %dma_wait3A_818 = arith.constant 0 : i32
        %dma_wait3A_819 = arith.constant 0 : i32
        %dma_wait3A_820 = tpu.memref_slice %arg4[%add3A_777, %dma_wait3A_818, %dma_wait3A_819] : memref<16384x50x64xf32, #tpu.memory_space<hbm>> -> memref<1x50x64xf32, #tpu.memory_space<hbm>>
        %dma_wait3A_821 = tpu.memref_squeeze %dma_wait3A_820 : memref<1x50x64xf32, #tpu.memory_space<hbm>> -> memref<50x64xf32, #tpu.memory_space<hbm>>
        %dma_wait3A_822 = arith.constant 0 : i32
        %dma_wait3A_823 = arith.constant 0 : i32
        %dma_wait3A_824 = tpu.memref_slice %arg4[%add3A_777, %dma_wait3A_822, %dma_wait3A_823] : memref<16384x50x64xf32, #tpu.memory_space<hbm>> -> memref<1x50x64xf32, #tpu.memory_space<hbm>>
        %dma_wait3A_825 = tpu.memref_squeeze %dma_wait3A_824 : memref<1x50x64xf32, #tpu.memory_space<hbm>> -> memref<50x64xf32, #tpu.memory_space<hbm>>
        %dma_wait3A_826 = arith.constant 0 : i32
        %dma_wait3A_827 = arith.constant 0 : i32
        %dma_wait3A_828 = tpu.memref_slice %arg6[%dma_wait3A_813, %dma_wait3A_826, %dma_wait3A_827] : memref<2x400x64xf32, #tpu.memory_space<vmem>> -> memref<1x50x64xf32, #tpu.memory_space<vmem>>
        %dma_wait3A_829 = tpu.memref_squeeze %dma_wait3A_828 : memref<1x50x64xf32, #tpu.memory_space<vmem>> -> memref<50x64xf32, #tpu.memory_space<vmem>>
        tpu.wait_dma2 semaphore(%arg10 : memref<!tpu.dma_semaphore, #tpu.memory_space<semaphore_mem>>) src(%dma_wait3A_829 : memref<50x64xf32, #tpu.memory_space<vmem>>) dst(%dma_wait3A_825 : memref<50x64xf32, #tpu.memory_space<hbm>>)
        %dma_wait3A_830 = arith.constant 0 : i32
        %dma_wait3A_831 = arith.constant 50 : i32
        %dma_wait3A_832 = arith.constant 0 : i32
        %dma_wait3A_833 = tpu.memref_slice %arg6[%dma_wait3A_830, %dma_wait3A_831, %dma_wait3A_832] : memref<2x400x64xf32, #tpu.memory_space<vmem>> -> memref<1x50x64xf32, #tpu.memory_space<vmem>>
        %dma_wait3A_834 = tpu.memref_squeeze %dma_wait3A_833 : memref<1x50x64xf32, #tpu.memory_space<vmem>> -> memref<50x64xf32, #tpu.memory_space<vmem>>
        %dma_wait3A_835 = arith.constant 0 : i32
        %dma_wait3A_836 = arith.constant 0 : i32
        %dma_wait3A_837 = tpu.memref_slice %arg4[%add3A_782, %dma_wait3A_835, %dma_wait3A_836] : memref<16384x50x64xf32, #tpu.memory_space<hbm>> -> memref<1x50x64xf32, #tpu.memory_space<hbm>>
        %dma_wait3A_838 = tpu.memref_squeeze %dma_wait3A_837 : memref<1x50x64xf32, #tpu.memory_space<hbm>> -> memref<50x64xf32, #tpu.memory_space<hbm>>
        %dma_wait3A_839 = arith.constant 0 : i32
        %dma_wait3A_840 = arith.constant 0 : i32
        %dma_wait3A_841 = tpu.memref_slice %arg4[%add3A_782, %dma_wait3A_839, %dma_wait3A_840] : memref<16384x50x64xf32, #tpu.memory_space<hbm>> -> memref<1x50x64xf32, #tpu.memory_space<hbm>>
        %dma_wait3A_842 = tpu.memref_squeeze %dma_wait3A_841 : memref<1x50x64xf32, #tpu.memory_space<hbm>> -> memref<50x64xf32, #tpu.memory_space<hbm>>
        %dma_wait3A_843 = arith.constant 50 : i32
        %dma_wait3A_844 = arith.constant 0 : i32
        %dma_wait3A_845 = tpu.memref_slice %arg6[%dma_wait3A_830, %dma_wait3A_843, %dma_wait3A_844] : memref<2x400x64xf32, #tpu.memory_space<vmem>> -> memref<1x50x64xf32, #tpu.memory_space<vmem>>
        %dma_wait3A_846 = tpu.memref_squeeze %dma_wait3A_845 : memref<1x50x64xf32, #tpu.memory_space<vmem>> -> memref<50x64xf32, #tpu.memory_space<vmem>>
        tpu.wait_dma2 semaphore(%arg10 : memref<!tpu.dma_semaphore, #tpu.memory_space<semaphore_mem>>) src(%dma_wait3A_846 : memref<50x64xf32, #tpu.memory_space<vmem>>) dst(%dma_wait3A_842 : memref<50x64xf32, #tpu.memory_space<hbm>>)
        %dma_wait3A_847 = arith.constant 0 : i32
        %dma_wait3A_848 = arith.constant 100 : i32
        %dma_wait3A_849 = arith.constant 0 : i32
        %dma_wait3A_850 = tpu.memref_slice %arg6[%dma_wait3A_847, %dma_wait3A_848, %dma_wait3A_849] : memref<2x400x64xf32, #tpu.memory_space<vmem>> -> memref<1x50x64xf32, #tpu.memory_space<vmem>>
        %dma_wait3A_851 = tpu.memref_squeeze %dma_wait3A_850 : memref<1x50x64xf32, #tpu.memory_space<vmem>> -> memref<50x64xf32, #tpu.memory_space<vmem>>
        %dma_wait3A_852 = arith.constant 0 : i32
        %dma_wait3A_853 = arith.constant 0 : i32
        %dma_wait3A_854 = tpu.memref_slice %arg4[%add3A_787, %dma_wait3A_852, %dma_wait3A_853] : memref<16384x50x64xf32, #tpu.memory_space<hbm>> -> memref<1x50x64xf32, #tpu.memory_space<hbm>>
        %dma_wait3A_855 = tpu.memref_squeeze %dma_wait3A_854 : memref<1x50x64xf32, #tpu.memory_space<hbm>> -> memref<50x64xf32, #tpu.memory_space<hbm>>
        %dma_wait3A_856 = arith.constant 0 : i32
        %dma_wait3A_857 = arith.constant 0 : i32
        %dma_wait3A_858 = tpu.memref_slice %arg4[%add3A_787, %dma_wait3A_856, %dma_wait3A_857] : memref<16384x50x64xf32, #tpu.memory_space<hbm>> -> memref<1x50x64xf32, #tpu.memory_space<hbm>>
        %dma_wait3A_859 = tpu.memref_squeeze %dma_wait3A_858 : memref<1x50x64xf32, #tpu.memory_space<hbm>> -> memref<50x64xf32, #tpu.memory_space<hbm>>
        %dma_wait3A_860 = arith.constant 100 : i32
        %dma_wait3A_861 = arith.constant 0 : i32
        %dma_wait3A_862 = tpu.memref_slice %arg6[%dma_wait3A_847, %dma_wait3A_860, %dma_wait3A_861] : memref<2x400x64xf32, #tpu.memory_space<vmem>> -> memref<1x50x64xf32, #tpu.memory_space<vmem>>
        %dma_wait3A_863 = tpu.memref_squeeze %dma_wait3A_862 : memref<1x50x64xf32, #tpu.memory_space<vmem>> -> memref<50x64xf32, #tpu.memory_space<vmem>>
        tpu.wait_dma2 semaphore(%arg10 : memref<!tpu.dma_semaphore, #tpu.memory_space<semaphore_mem>>) src(%dma_wait3A_863 : memref<50x64xf32, #tpu.memory_space<vmem>>) dst(%dma_wait3A_859 : memref<50x64xf32, #tpu.memory_space<hbm>>)
        %dma_wait3A_864 = arith.constant 0 : i32
        %dma_wait3A_865 = arith.constant 150 : i32
        %dma_wait3A_866 = arith.constant 0 : i32
        %dma_wait3A_867 = tpu.memref_slice %arg6[%dma_wait3A_864, %dma_wait3A_865, %dma_wait3A_866] : memref<2x400x64xf32, #tpu.memory_space<vmem>> -> memref<1x50x64xf32, #tpu.memory_space<vmem>>
        %dma_wait3A_868 = tpu.memref_squeeze %dma_wait3A_867 : memref<1x50x64xf32, #tpu.memory_space<vmem>> -> memref<50x64xf32, #tpu.memory_space<vmem>>
        %dma_wait3A_869 = arith.constant 0 : i32
        %dma_wait3A_870 = arith.constant 0 : i32
        %dma_wait3A_871 = tpu.memref_slice %arg4[%add3A_792, %dma_wait3A_869, %dma_wait3A_870] : memref<16384x50x64xf32, #tpu.memory_space<hbm>> -> memref<1x50x64xf32, #tpu.memory_space<hbm>>
        %dma_wait3A_872 = tpu.memref_squeeze %dma_wait3A_871 : memref<1x50x64xf32, #tpu.memory_space<hbm>> -> memref<50x64xf32, #tpu.memory_space<hbm>>
        %dma_wait3A_873 = arith.constant 0 : i32
        %dma_wait3A_874 = arith.constant 0 : i32
        %dma_wait3A_875 = tpu.memref_slice %arg4[%add3A_792, %dma_wait3A_873, %dma_wait3A_874] : memref<16384x50x64xf32, #tpu.memory_space<hbm>> -> memref<1x50x64xf32, #tpu.memory_space<hbm>>
        %dma_wait3A_876 = tpu.memref_squeeze %dma_wait3A_875 : memref<1x50x64xf32, #tpu.memory_space<hbm>> -> memref<50x64xf32, #tpu.memory_space<hbm>>
        %dma_wait3A_877 = arith.constant 150 : i32
        %dma_wait3A_878 = arith.constant 0 : i32
        %dma_wait3A_879 = tpu.memref_slice %arg6[%dma_wait3A_864, %dma_wait3A_877, %dma_wait3A_878] : memref<2x400x64xf32, #tpu.memory_space<vmem>> -> memref<1x50x64xf32, #tpu.memory_space<vmem>>
        %dma_wait3A_880 = tpu.memref_squeeze %dma_wait3A_879 : memref<1x50x64xf32, #tpu.memory_space<vmem>> -> memref<50x64xf32, #tpu.memory_space<vmem>>
        tpu.wait_dma2 semaphore(%arg10 : memref<!tpu.dma_semaphore, #tpu.memory_space<semaphore_mem>>) src(%dma_wait3A_880 : memref<50x64xf32, #tpu.memory_space<vmem>>) dst(%dma_wait3A_876 : memref<50x64xf32, #tpu.memory_space<hbm>>)
        %dma_wait3A_881 = arith.constant 0 : i32
        %dma_wait3A_882 = arith.constant 200 : i32
        %dma_wait3A_883 = arith.constant 0 : i32
        %dma_wait3A_884 = tpu.memref_slice %arg6[%dma_wait3A_881, %dma_wait3A_882, %dma_wait3A_883] : memref<2x400x64xf32, #tpu.memory_space<vmem>> -> memref<1x50x64xf32, #tpu.memory_space<vmem>>
        %dma_wait3A_885 = tpu.memref_squeeze %dma_wait3A_884 : memref<1x50x64xf32, #tpu.memory_space<vmem>> -> memref<50x64xf32, #tpu.memory_space<vmem>>
        %dma_wait3A_886 = arith.constant 0 : i32
        %dma_wait3A_887 = arith.constant 0 : i32
        %dma_wait3A_888 = tpu.memref_slice %arg4[%add3A_797, %dma_wait3A_886, %dma_wait3A_887] : memref<16384x50x64xf32, #tpu.memory_space<hbm>> -> memref<1x50x64xf32, #tpu.memory_space<hbm>>
        %dma_wait3A_889 = tpu.memref_squeeze %dma_wait3A_888 : memref<1x50x64xf32, #tpu.memory_space<hbm>> -> memref<50x64xf32, #tpu.memory_space<hbm>>
        %dma_wait3A_890 = arith.constant 0 : i32
        %dma_wait3A_891 = arith.constant 0 : i32
        %dma_wait3A_892 = tpu.memref_slice %arg4[%add3A_797, %dma_wait3A_890, %dma_wait3A_891] : memref<16384x50x64xf32, #tpu.memory_space<hbm>> -> memref<1x50x64xf32, #tpu.memory_space<hbm>>
        %dma_wait3A_893 = tpu.memref_squeeze %dma_wait3A_892 : memref<1x50x64xf32, #tpu.memory_space<hbm>> -> memref<50x64xf32, #tpu.memory_space<hbm>>
        %dma_wait3A_894 = arith.constant 200 : i32
        %dma_wait3A_895 = arith.constant 0 : i32
        %dma_wait3A_896 = tpu.memref_slice %arg6[%dma_wait3A_881, %dma_wait3A_894, %dma_wait3A_895] : memref<2x400x64xf32, #tpu.memory_space<vmem>> -> memref<1x50x64xf32, #tpu.memory_space<vmem>>
        %dma_wait3A_897 = tpu.memref_squeeze %dma_wait3A_896 : memref<1x50x64xf32, #tpu.memory_space<vmem>> -> memref<50x64xf32, #tpu.memory_space<vmem>>
        tpu.wait_dma2 semaphore(%arg10 : memref<!tpu.dma_semaphore, #tpu.memory_space<semaphore_mem>>) src(%dma_wait3A_897 : memref<50x64xf32, #tpu.memory_space<vmem>>) dst(%dma_wait3A_893 : memref<50x64xf32, #tpu.memory_space<hbm>>)
        %dma_wait3A_898 = arith.constant 0 : i32
        %dma_wait3A_899 = arith.constant 250 : i32
        %dma_wait3A_900 = arith.constant 0 : i32
        %dma_wait3A_901 = tpu.memref_slice %arg6[%dma_wait3A_898, %dma_wait3A_899, %dma_wait3A_900] : memref<2x400x64xf32, #tpu.memory_space<vmem>> -> memref<1x50x64xf32, #tpu.memory_space<vmem>>
        %dma_wait3A_902 = tpu.memref_squeeze %dma_wait3A_901 : memref<1x50x64xf32, #tpu.memory_space<vmem>> -> memref<50x64xf32, #tpu.memory_space<vmem>>
        %dma_wait3A_903 = arith.constant 0 : i32
        %dma_wait3A_904 = arith.constant 0 : i32
        %dma_wait3A_905 = tpu.memref_slice %arg4[%add3A_802, %dma_wait3A_903, %dma_wait3A_904] : memref<16384x50x64xf32, #tpu.memory_space<hbm>> -> memref<1x50x64xf32, #tpu.memory_space<hbm>>
        %dma_wait3A_906 = tpu.memref_squeeze %dma_wait3A_905 : memref<1x50x64xf32, #tpu.memory_space<hbm>> -> memref<50x64xf32, #tpu.memory_space<hbm>>
        %dma_wait3A_907 = arith.constant 0 : i32
        %dma_wait3A_908 = arith.constant 0 : i32
        %dma_wait3A_909 = tpu.memref_slice %arg4[%add3A_802, %dma_wait3A_907, %dma_wait3A_908] : memref<16384x50x64xf32, #tpu.memory_space<hbm>> -> memref<1x50x64xf32, #tpu.memory_space<hbm>>
        %dma_wait3A_910 = tpu.memref_squeeze %dma_wait3A_909 : memref<1x50x64xf32, #tpu.memory_space<hbm>> -> memref<50x64xf32, #tpu.memory_space<hbm>>
        %dma_wait3A_911 = arith.constant 250 : i32
        %dma_wait3A_912 = arith.constant 0 : i32
        %dma_wait3A_913 = tpu.memref_slice %arg6[%dma_wait3A_898, %dma_wait3A_911, %dma_wait3A_912] : memref<2x400x64xf32, #tpu.memory_space<vmem>> -> memref<1x50x64xf32, #tpu.memory_space<vmem>>
        %dma_wait3A_914 = tpu.memref_squeeze %dma_wait3A_913 : memref<1x50x64xf32, #tpu.memory_space<vmem>> -> memref<50x64xf32, #tpu.memory_space<vmem>>
        tpu.wait_dma2 semaphore(%arg10 : memref<!tpu.dma_semaphore, #tpu.memory_space<semaphore_mem>>) src(%dma_wait3A_914 : memref<50x64xf32, #tpu.memory_space<vmem>>) dst(%dma_wait3A_910 : memref<50x64xf32, #tpu.memory_space<hbm>>)
        %dma_wait3A_915 = arith.constant 0 : i32
        %dma_wait3A_916 = arith.constant 300 : i32
        %dma_wait3A_917 = arith.constant 0 : i32
        %dma_wait3A_918 = tpu.memref_slice %arg6[%dma_wait3A_915, %dma_wait3A_916, %dma_wait3A_917] : memref<2x400x64xf32, #tpu.memory_space<vmem>> -> memref<1x50x64xf32, #tpu.memory_space<vmem>>
        %dma_wait3A_919 = tpu.memref_squeeze %dma_wait3A_918 : memref<1x50x64xf32, #tpu.memory_space<vmem>> -> memref<50x64xf32, #tpu.memory_space<vmem>>
        %dma_wait3A_920 = arith.constant 0 : i32
        %dma_wait3A_921 = arith.constant 0 : i32
        %dma_wait3A_922 = tpu.memref_slice %arg4[%add3A_807, %dma_wait3A_920, %dma_wait3A_921] : memref<16384x50x64xf32, #tpu.memory_space<hbm>> -> memref<1x50x64xf32, #tpu.memory_space<hbm>>
        %dma_wait3A_923 = tpu.memref_squeeze %dma_wait3A_922 : memref<1x50x64xf32, #tpu.memory_space<hbm>> -> memref<50x64xf32, #tpu.memory_space<hbm>>
        %dma_wait3A_924 = arith.constant 0 : i32
        %dma_wait3A_925 = arith.constant 0 : i32
        %dma_wait3A_926 = tpu.memref_slice %arg4[%add3A_807, %dma_wait3A_924, %dma_wait3A_925] : memref<16384x50x64xf32, #tpu.memory_space<hbm>> -> memref<1x50x64xf32, #tpu.memory_space<hbm>>
        %dma_wait3A_927 = tpu.memref_squeeze %dma_wait3A_926 : memref<1x50x64xf32, #tpu.memory_space<hbm>> -> memref<50x64xf32, #tpu.memory_space<hbm>>
        %dma_wait3A_928 = arith.constant 300 : i32
        %dma_wait3A_929 = arith.constant 0 : i32
        %dma_wait3A_930 = tpu.memref_slice %arg6[%dma_wait3A_915, %dma_wait3A_928, %dma_wait3A_929] : memref<2x400x64xf32, #tpu.memory_space<vmem>> -> memref<1x50x64xf32, #tpu.memory_space<vmem>>
        %dma_wait3A_931 = tpu.memref_squeeze %dma_wait3A_930 : memref<1x50x64xf32, #tpu.memory_space<vmem>> -> memref<50x64xf32, #tpu.memory_space<vmem>>
        tpu.wait_dma2 semaphore(%arg10 : memref<!tpu.dma_semaphore, #tpu.memory_space<semaphore_mem>>) src(%dma_wait3A_931 : memref<50x64xf32, #tpu.memory_space<vmem>>) dst(%dma_wait3A_927 : memref<50x64xf32, #tpu.memory_space<hbm>>)
        %dma_wait3A_932 = arith.constant 0 : i32
        %dma_wait3A_933 = arith.constant 350 : i32
        %dma_wait3A_934 = arith.constant 0 : i32
        %dma_wait3A_935 = tpu.memref_slice %arg6[%dma_wait3A_932, %dma_wait3A_933, %dma_wait3A_934] : memref<2x400x64xf32, #tpu.memory_space<vmem>> -> memref<1x50x64xf32, #tpu.memory_space<vmem>>
        %dma_wait3A_936 = tpu.memref_squeeze %dma_wait3A_935 : memref<1x50x64xf32, #tpu.memory_space<vmem>> -> memref<50x64xf32, #tpu.memory_space<vmem>>
        %dma_wait3A_937 = arith.constant 0 : i32
        %dma_wait3A_938 = arith.constant 0 : i32
        %dma_wait3A_939 = tpu.memref_slice %arg4[%add3A_812, %dma_wait3A_937, %dma_wait3A_938] : memref<16384x50x64xf32, #tpu.memory_space<hbm>> -> memref<1x50x64xf32, #tpu.memory_space<hbm>>
        %dma_wait3A_940 = tpu.memref_squeeze %dma_wait3A_939 : memref<1x50x64xf32, #tpu.memory_space<hbm>> -> memref<50x64xf32, #tpu.memory_space<hbm>>
        %dma_wait3A_941 = arith.constant 0 : i32
        %dma_wait3A_942 = arith.constant 0 : i32
        %dma_wait3A_943 = tpu.memref_slice %arg4[%add3A_812, %dma_wait3A_941, %dma_wait3A_942] : memref<16384x50x64xf32, #tpu.memory_space<hbm>> -> memref<1x50x64xf32, #tpu.memory_space<hbm>>
        %dma_wait3A_944 = tpu.memref_squeeze %dma_wait3A_943 : memref<1x50x64xf32, #tpu.memory_space<hbm>> -> memref<50x64xf32, #tpu.memory_space<hbm>>
        %dma_wait3A_945 = arith.constant 350 : i32
        %dma_wait3A_946 = arith.constant 0 : i32
        %dma_wait3A_947 = tpu.memref_slice %arg6[%dma_wait3A_932, %dma_wait3A_945, %dma_wait3A_946] : memref<2x400x64xf32, #tpu.memory_space<vmem>> -> memref<1x50x64xf32, #tpu.memory_space<vmem>>
        %dma_wait3A_948 = tpu.memref_squeeze %dma_wait3A_947 : memref<1x50x64xf32, #tpu.memory_space<vmem>> -> memref<50x64xf32, #tpu.memory_space<vmem>>
        tpu.wait_dma2 semaphore(%arg10 : memref<!tpu.dma_semaphore, #tpu.memory_space<semaphore_mem>>) src(%dma_wait3A_948 : memref<50x64xf32, #tpu.memory_space<vmem>>) dst(%dma_wait3A_944 : memref<50x64xf32, #tpu.memory_space<hbm>>)
        %add3A_949 = arith.constant 0 : i32
        %add3A_950 = arith.addi %mul3A_370, %add3A_949 : i32
        %add3A_951 = arith.constant 2 : i32
        %add3A_952 = arith.addi %add3A_950, %add3A_951 : i32
        %mul3A_953 = arith.constant 400 : i32
        %mul3A_954 = arith.muli %add3A_952, %mul3A_953 : i32
        %dma_start3A_955 = arith.constant 0 : i32
        %dma_start3A_956 = arith.constant 0 : i32
        %dma_start3A_957 = arith.constant 0 : i32
        %dma_start3A_958 = tpu.memref_slice %arg6[%dma_start3A_955, %dma_start3A_956, %dma_start3A_957] : memref<2x400x64xf32, #tpu.memory_space<vmem>> -> memref<1x400x64xf32, #tpu.memory_space<vmem>>
        %dma_start3A_959 = tpu.memref_squeeze %dma_start3A_958 : memref<1x400x64xf32, #tpu.memory_space<vmem>> -> memref<400x64xf32, #tpu.memory_space<vmem>>
        %dma_start3A_960 = tpu.memref_slice %arg5[%mul3A_954] : memref<25600xi32, #tpu.memory_space<vmem>> -> memref<400xi32, #tpu.memory_space<vmem>>
        %dma_start3A_961 = arith.constant 0 : i32
        %dma_start3A_962 = arith.constant 0 : i32
        %dma_start3A_963 = tpu.memref_slice %arg7[%dma_start3A_961, %dma_start3A_962] : memref<1000x64xf32, #tpu.memory_space<vmem_shared>> -> memref<1000x64xf32, #tpu.memory_space<vmem_shared>>
        tpu.enqueue_indirect_dma source(%dma_start3A_963 : memref<1000x64xf32, #tpu.memory_space<vmem_shared>>) target(%dma_start3A_959 : memref<400x64xf32, #tpu.memory_space<vmem>>) offsets(%dma_start3A_960 : memref<400xi32, #tpu.memory_space<vmem>>) semaphore(%arg8 : memref<!tpu.dma_semaphore, #tpu.memory_space<semaphore_mem>>)
      } else {
      }
      %add3A_761 = arith.constant 1 : i32
      %add3A_762 = arith.addi %mul3A_370, %add3A_761 : i32
      %add3A_763 = arith.constant 2 : i32
      %add3A_764 = arith.addi %add3A_762, %add3A_763 : i32
      %lt3A_765 = arith.constant 64 : i32
      %lt3A_766 = arith.cmpi slt, %add3A_764, %lt3A_765 : i32
      %convert_element_type3A_767 = arith.extui %lt3A_766 : i1 to i32
      %cond3A_768 = arith.constant 0 : i32
      %cond3A_769 = arith.cmpi ne, %convert_element_type3A_767, %cond3A_768 : i32
      scf.if %cond3A_769 {
        %add3A_771 = arith.constant 1 : i32
        %add3A_772 = arith.addi %mul3A_370, %add3A_771 : i32
        %mul3A_773 = arith.constant 8 : i32
        %mul3A_774 = arith.muli %add3A_772, %mul3A_773 : i32
        %add3A_775 = arith.addi %mul3A_4, %mul3A_774 : i32
        %add3A_776 = arith.constant 0 : i32
        %add3A_777 = arith.addi %add3A_775, %add3A_776 : i32
        %mul3A_778 = arith.constant 8 : i32
        %mul3A_779 = arith.muli %add3A_772, %mul3A_778 : i32
        %add3A_780 = arith.addi %mul3A_4, %mul3A_779 : i32
        %add3A_781 = arith.constant 1 : i32
        %add3A_782 = arith.addi %add3A_780, %add3A_781 : i32
        %mul3A_783 = arith.constant 8 : i32
        %mul3A_784 = arith.muli %add3A_772, %mul3A_783 : i32
        %add3A_785 = arith.addi %mul3A_4, %mul3A_784 : i32
        %add3A_786 = arith.constant 2 : i32
        %add3A_787 = arith.addi %add3A_785, %add3A_786 : i32
        %mul3A_788 = arith.constant 8 : i32
        %mul3A_789 = arith.muli %add3A_772, %mul3A_788 : i32
        %add3A_790 = arith.addi %mul3A_4, %mul3A_789 : i32
        %add3A_791 = arith.constant 3 : i32
        %add3A_792 = arith.addi %add3A_790, %add3A_791 : i32
        %mul3A_793 = arith.constant 8 : i32
        %mul3A_794 = arith.muli %add3A_772, %mul3A_793 : i32
        %add3A_795 = arith.addi %mul3A_4, %mul3A_794 : i32
        %add3A_796 = arith.constant 4 : i32
        %add3A_797 = arith.addi %add3A_795, %add3A_796 : i32
        %mul3A_798 = arith.constant 8 : i32
        %mul3A_799 = arith.muli %add3A_772, %mul3A_798 : i32
        %add3A_800 = arith.addi %mul3A_4, %mul3A_799 : i32
        %add3A_801 = arith.constant 5 : i32
        %add3A_802 = arith.addi %add3A_800, %add3A_801 : i32
        %mul3A_803 = arith.constant 8 : i32
        %mul3A_804 = arith.muli %add3A_772, %mul3A_803 : i32
        %add3A_805 = arith.addi %mul3A_4, %mul3A_804 : i32
        %add3A_806 = arith.constant 6 : i32
        %add3A_807 = arith.addi %add3A_805, %add3A_806 : i32
        %mul3A_808 = arith.constant 8 : i32
        %mul3A_809 = arith.muli %add3A_772, %mul3A_808 : i32
        %add3A_810 = arith.addi %mul3A_4, %mul3A_809 : i32
        %add3A_811 = arith.constant 7 : i32
        %add3A_812 = arith.addi %add3A_810, %add3A_811 : i32
        %dma_wait3A_813 = arith.constant 1 : i32
        %dma_wait3A_814 = arith.constant 0 : i32
        %dma_wait3A_815 = arith.constant 0 : i32
        %dma_wait3A_816 = tpu.memref_slice %arg6[%dma_wait3A_813, %dma_wait3A_814, %dma_wait3A_815] : memref<2x400x64xf32, #tpu.memory_space<vmem>> -> memref<1x50x64xf32, #tpu.memory_space<vmem>>
        %dma_wait3A_817 = tpu.memref_squeeze %dma_wait3A_816 : memref<1x50x64xf32, #tpu.memory_space<vmem>> -> memref<50x64xf32, #tpu.memory_space<vmem>>
        %dma_wait3A_818 = arith.constant 0 : i32
        %dma_wait3A_819 = arith.constant 0 : i32
        %dma_wait3A_820 = tpu.memref_slice %arg4[%add3A_777, %dma_wait3A_818, %dma_wait3A_819] : memref<16384x50x64xf32, #tpu.memory_space<hbm>> -> memref<1x50x64xf32, #tpu.memory_space<hbm>>
        %dma_wait3A_821 = tpu.memref_squeeze %dma_wait3A_820 : memref<1x50x64xf32, #tpu.memory_space<hbm>> -> memref<50x64xf32, #tpu.memory_space<hbm>>
        %dma_wait3A_822 = arith.constant 0 : i32
        %dma_wait3A_823 = arith.constant 0 : i32
        %dma_wait3A_824 = tpu.memref_slice %arg4[%add3A_777, %dma_wait3A_822, %dma_wait3A_823] : memref<16384x50x64xf32, #tpu.memory_space<hbm>> -> memref<1x50x64xf32, #tpu.memory_space<hbm>>
        %dma_wait3A_825 = tpu.memref_squeeze %dma_wait3A_824 : memref<1x50x64xf32, #tpu.memory_space<hbm>> -> memref<50x64xf32, #tpu.memory_space<hbm>>
        %dma_wait3A_826 = arith.constant 0 : i32
        %dma_wait3A_827 = arith.constant 0 : i32
        %dma_wait3A_828 = tpu.memref_slice %arg6[%dma_wait3A_813, %dma_wait3A_826, %dma_wait3A_827] : memref<2x400x64xf32, #tpu.memory_space<vmem>> -> memref<1x50x64xf32, #tpu.memory_space<vmem>>
        %dma_wait3A_829 = tpu.memref_squeeze %dma_wait3A_828 : memref<1x50x64xf32, #tpu.memory_space<vmem>> -> memref<50x64xf32, #tpu.memory_space<vmem>>
        tpu.wait_dma2 semaphore(%arg11 : memref<!tpu.dma_semaphore, #tpu.memory_space<semaphore_mem>>) src(%dma_wait3A_829 : memref<50x64xf32, #tpu.memory_space<vmem>>) dst(%dma_wait3A_825 : memref<50x64xf32, #tpu.memory_space<hbm>>)
        %dma_wait3A_830 = arith.constant 1 : i32
        %dma_wait3A_831 = arith.constant 50 : i32
        %dma_wait3A_832 = arith.constant 0 : i32
        %dma_wait3A_833 = tpu.memref_slice %arg6[%dma_wait3A_830, %dma_wait3A_831, %dma_wait3A_832] : memref<2x400x64xf32, #tpu.memory_space<vmem>> -> memref<1x50x64xf32, #tpu.memory_space<vmem>>
        %dma_wait3A_834 = tpu.memref_squeeze %dma_wait3A_833 : memref<1x50x64xf32, #tpu.memory_space<vmem>> -> memref<50x64xf32, #tpu.memory_space<vmem>>
        %dma_wait3A_835 = arith.constant 0 : i32
        %dma_wait3A_836 = arith.constant 0 : i32
        %dma_wait3A_837 = tpu.memref_slice %arg4[%add3A_782, %dma_wait3A_835, %dma_wait3A_836] : memref<16384x50x64xf32, #tpu.memory_space<hbm>> -> memref<1x50x64xf32, #tpu.memory_space<hbm>>
        %dma_wait3A_838 = tpu.memref_squeeze %dma_wait3A_837 : memref<1x50x64xf32, #tpu.memory_space<hbm>> -> memref<50x64xf32, #tpu.memory_space<hbm>>
        %dma_wait3A_839 = arith.constant 0 : i32
        %dma_wait3A_840 = arith.constant 0 : i32
        %dma_wait3A_841 = tpu.memref_slice %arg4[%add3A_782, %dma_wait3A_839, %dma_wait3A_840] : memref<16384x50x64xf32, #tpu.memory_space<hbm>> -> memref<1x50x64xf32, #tpu.memory_space<hbm>>
        %dma_wait3A_842 = tpu.memref_squeeze %dma_wait3A_841 : memref<1x50x64xf32, #tpu.memory_space<hbm>> -> memref<50x64xf32, #tpu.memory_space<hbm>>
        %dma_wait3A_843 = arith.constant 50 : i32
        %dma_wait3A_844 = arith.constant 0 : i32
        %dma_wait3A_845 = tpu.memref_slice %arg6[%dma_wait3A_830, %dma_wait3A_843, %dma_wait3A_844] : memref<2x400x64xf32, #tpu.memory_space<vmem>> -> memref<1x50x64xf32, #tpu.memory_space<vmem>>
        %dma_wait3A_846 = tpu.memref_squeeze %dma_wait3A_845 : memref<1x50x64xf32, #tpu.memory_space<vmem>> -> memref<50x64xf32, #tpu.memory_space<vmem>>
        tpu.wait_dma2 semaphore(%arg11 : memref<!tpu.dma_semaphore, #tpu.memory_space<semaphore_mem>>) src(%dma_wait3A_846 : memref<50x64xf32, #tpu.memory_space<vmem>>) dst(%dma_wait3A_842 : memref<50x64xf32, #tpu.memory_space<hbm>>)
        %dma_wait3A_847 = arith.constant 1 : i32
        %dma_wait3A_848 = arith.constant 100 : i32
        %dma_wait3A_849 = arith.constant 0 : i32
        %dma_wait3A_850 = tpu.memref_slice %arg6[%dma_wait3A_847, %dma_wait3A_848, %dma_wait3A_849] : memref<2x400x64xf32, #tpu.memory_space<vmem>> -> memref<1x50x64xf32, #tpu.memory_space<vmem>>
        %dma_wait3A_851 = tpu.memref_squeeze %dma_wait3A_850 : memref<1x50x64xf32, #tpu.memory_space<vmem>> -> memref<50x64xf32, #tpu.memory_space<vmem>>
        %dma_wait3A_852 = arith.constant 0 : i32
        %dma_wait3A_853 = arith.constant 0 : i32
        %dma_wait3A_854 = tpu.memref_slice %arg4[%add3A_787, %dma_wait3A_852, %dma_wait3A_853] : memref<16384x50x64xf32, #tpu.memory_space<hbm>> -> memref<1x50x64xf32, #tpu.memory_space<hbm>>
        %dma_wait3A_855 = tpu.memref_squeeze %dma_wait3A_854 : memref<1x50x64xf32, #tpu.memory_space<hbm>> -> memref<50x64xf32, #tpu.memory_space<hbm>>
        %dma_wait3A_856 = arith.constant 0 : i32
        %dma_wait3A_857 = arith.constant 0 : i32
        %dma_wait3A_858 = tpu.memref_slice %arg4[%add3A_787, %dma_wait3A_856, %dma_wait3A_857] : memref<16384x50x64xf32, #tpu.memory_space<hbm>> -> memref<1x50x64xf32, #tpu.memory_space<hbm>>
        %dma_wait3A_859 = tpu.memref_squeeze %dma_wait3A_858 : memref<1x50x64xf32, #tpu.memory_space<hbm>> -> memref<50x64xf32, #tpu.memory_space<hbm>>
        %dma_wait3A_860 = arith.constant 100 : i32
        %dma_wait3A_861 = arith.constant 0 : i32
        %dma_wait3A_862 = tpu.memref_slice %arg6[%dma_wait3A_847, %dma_wait3A_860, %dma_wait3A_861] : memref<2x400x64xf32, #tpu.memory_space<vmem>> -> memref<1x50x64xf32, #tpu.memory_space<vmem>>
        %dma_wait3A_863 = tpu.memref_squeeze %dma_wait3A_862 : memref<1x50x64xf32, #tpu.memory_space<vmem>> -> memref<50x64xf32, #tpu.memory_space<vmem>>
        tpu.wait_dma2 semaphore(%arg11 : memref<!tpu.dma_semaphore, #tpu.memory_space<semaphore_mem>>) src(%dma_wait3A_863 : memref<50x64xf32, #tpu.memory_space<vmem>>) dst(%dma_wait3A_859 : memref<50x64xf32, #tpu.memory_space<hbm>>)
        %dma_wait3A_864 = arith.constant 1 : i32
        %dma_wait3A_865 = arith.constant 150 : i32
        %dma_wait3A_866 = arith.constant 0 : i32
        %dma_wait3A_867 = tpu.memref_slice %arg6[%dma_wait3A_864, %dma_wait3A_865, %dma_wait3A_866] : memref<2x400x64xf32, #tpu.memory_space<vmem>> -> memref<1x50x64xf32, #tpu.memory_space<vmem>>
        %dma_wait3A_868 = tpu.memref_squeeze %dma_wait3A_867 : memref<1x50x64xf32, #tpu.memory_space<vmem>> -> memref<50x64xf32, #tpu.memory_space<vmem>>
        %dma_wait3A_869 = arith.constant 0 : i32
        %dma_wait3A_870 = arith.constant 0 : i32
        %dma_wait3A_871 = tpu.memref_slice %arg4[%add3A_792, %dma_wait3A_869, %dma_wait3A_870] : memref<16384x50x64xf32, #tpu.memory_space<hbm>> -> memref<1x50x64xf32, #tpu.memory_space<hbm>>
        %dma_wait3A_872 = tpu.memref_squeeze %dma_wait3A_871 : memref<1x50x64xf32, #tpu.memory_space<hbm>> -> memref<50x64xf32, #tpu.memory_space<hbm>>
        %dma_wait3A_873 = arith.constant 0 : i32
        %dma_wait3A_874 = arith.constant 0 : i32
        %dma_wait3A_875 = tpu.memref_slice %arg4[%add3A_792, %dma_wait3A_873, %dma_wait3A_874] : memref<16384x50x64xf32, #tpu.memory_space<hbm>> -> memref<1x50x64xf32, #tpu.memory_space<hbm>>
        %dma_wait3A_876 = tpu.memref_squeeze %dma_wait3A_875 : memref<1x50x64xf32, #tpu.memory_space<hbm>> -> memref<50x64xf32, #tpu.memory_space<hbm>>
        %dma_wait3A_877 = arith.constant 150 : i32
        %dma_wait3A_878 = arith.constant 0 : i32
        %dma_wait3A_879 = tpu.memref_slice %arg6[%dma_wait3A_864, %dma_wait3A_877, %dma_wait3A_878] : memref<2x400x64xf32, #tpu.memory_space<vmem>> -> memref<1x50x64xf32, #tpu.memory_space<vmem>>
        %dma_wait3A_880 = tpu.memref_squeeze %dma_wait3A_879 : memref<1x50x64xf32, #tpu.memory_space<vmem>> -> memref<50x64xf32, #tpu.memory_space<vmem>>
        tpu.wait_dma2 semaphore(%arg11 : memref<!tpu.dma_semaphore, #tpu.memory_space<semaphore_mem>>) src(%dma_wait3A_880 : memref<50x64xf32, #tpu.memory_space<vmem>>) dst(%dma_wait3A_876 : memref<50x64xf32, #tpu.memory_space<hbm>>)
        %dma_wait3A_881 = arith.constant 1 : i32
        %dma_wait3A_882 = arith.constant 200 : i32
        %dma_wait3A_883 = arith.constant 0 : i32
        %dma_wait3A_884 = tpu.memref_slice %arg6[%dma_wait3A_881, %dma_wait3A_882, %dma_wait3A_883] : memref<2x400x64xf32, #tpu.memory_space<vmem>> -> memref<1x50x64xf32, #tpu.memory_space<vmem>>
        %dma_wait3A_885 = tpu.memref_squeeze %dma_wait3A_884 : memref<1x50x64xf32, #tpu.memory_space<vmem>> -> memref<50x64xf32, #tpu.memory_space<vmem>>
        %dma_wait3A_886 = arith.constant 0 : i32
        %dma_wait3A_887 = arith.constant 0 : i32
        %dma_wait3A_888 = tpu.memref_slice %arg4[%add3A_797, %dma_wait3A_886, %dma_wait3A_887] : memref<16384x50x64xf32, #tpu.memory_space<hbm>> -> memref<1x50x64xf32, #tpu.memory_space<hbm>>
        %dma_wait3A_889 = tpu.memref_squeeze %dma_wait3A_888 : memref<1x50x64xf32, #tpu.memory_space<hbm>> -> memref<50x64xf32, #tpu.memory_space<hbm>>
        %dma_wait3A_890 = arith.constant 0 : i32
        %dma_wait3A_891 = arith.constant 0 : i32
        %dma_wait3A_892 = tpu.memref_slice %arg4[%add3A_797, %dma_wait3A_890, %dma_wait3A_891] : memref<16384x50x64xf32, #tpu.memory_space<hbm>> -> memref<1x50x64xf32, #tpu.memory_space<hbm>>
        %dma_wait3A_893 = tpu.memref_squeeze %dma_wait3A_892 : memref<1x50x64xf32, #tpu.memory_space<hbm>> -> memref<50x64xf32, #tpu.memory_space<hbm>>
        %dma_wait3A_894 = arith.constant 200 : i32
        %dma_wait3A_895 = arith.constant 0 : i32
        %dma_wait3A_896 = tpu.memref_slice %arg6[%dma_wait3A_881, %dma_wait3A_894, %dma_wait3A_895] : memref<2x400x64xf32, #tpu.memory_space<vmem>> -> memref<1x50x64xf32, #tpu.memory_space<vmem>>
        %dma_wait3A_897 = tpu.memref_squeeze %dma_wait3A_896 : memref<1x50x64xf32, #tpu.memory_space<vmem>> -> memref<50x64xf32, #tpu.memory_space<vmem>>
        tpu.wait_dma2 semaphore(%arg11 : memref<!tpu.dma_semaphore, #tpu.memory_space<semaphore_mem>>) src(%dma_wait3A_897 : memref<50x64xf32, #tpu.memory_space<vmem>>) dst(%dma_wait3A_893 : memref<50x64xf32, #tpu.memory_space<hbm>>)
        %dma_wait3A_898 = arith.constant 1 : i32
        %dma_wait3A_899 = arith.constant 250 : i32
        %dma_wait3A_900 = arith.constant 0 : i32
        %dma_wait3A_901 = tpu.memref_slice %arg6[%dma_wait3A_898, %dma_wait3A_899, %dma_wait3A_900] : memref<2x400x64xf32, #tpu.memory_space<vmem>> -> memref<1x50x64xf32, #tpu.memory_space<vmem>>
        %dma_wait3A_902 = tpu.memref_squeeze %dma_wait3A_901 : memref<1x50x64xf32, #tpu.memory_space<vmem>> -> memref<50x64xf32, #tpu.memory_space<vmem>>
        %dma_wait3A_903 = arith.constant 0 : i32
        %dma_wait3A_904 = arith.constant 0 : i32
        %dma_wait3A_905 = tpu.memref_slice %arg4[%add3A_802, %dma_wait3A_903, %dma_wait3A_904] : memref<16384x50x64xf32, #tpu.memory_space<hbm>> -> memref<1x50x64xf32, #tpu.memory_space<hbm>>
        %dma_wait3A_906 = tpu.memref_squeeze %dma_wait3A_905 : memref<1x50x64xf32, #tpu.memory_space<hbm>> -> memref<50x64xf32, #tpu.memory_space<hbm>>
        %dma_wait3A_907 = arith.constant 0 : i32
        %dma_wait3A_908 = arith.constant 0 : i32
        %dma_wait3A_909 = tpu.memref_slice %arg4[%add3A_802, %dma_wait3A_907, %dma_wait3A_908] : memref<16384x50x64xf32, #tpu.memory_space<hbm>> -> memref<1x50x64xf32, #tpu.memory_space<hbm>>
        %dma_wait3A_910 = tpu.memref_squeeze %dma_wait3A_909 : memref<1x50x64xf32, #tpu.memory_space<hbm>> -> memref<50x64xf32, #tpu.memory_space<hbm>>
        %dma_wait3A_911 = arith.constant 250 : i32
        %dma_wait3A_912 = arith.constant 0 : i32
        %dma_wait3A_913 = tpu.memref_slice %arg6[%dma_wait3A_898, %dma_wait3A_911, %dma_wait3A_912] : memref<2x400x64xf32, #tpu.memory_space<vmem>> -> memref<1x50x64xf32, #tpu.memory_space<vmem>>
        %dma_wait3A_914 = tpu.memref_squeeze %dma_wait3A_913 : memref<1x50x64xf32, #tpu.memory_space<vmem>> -> memref<50x64xf32, #tpu.memory_space<vmem>>
        tpu.wait_dma2 semaphore(%arg11 : memref<!tpu.dma_semaphore, #tpu.memory_space<semaphore_mem>>) src(%dma_wait3A_914 : memref<50x64xf32, #tpu.memory_space<vmem>>) dst(%dma_wait3A_910 : memref<50x64xf32, #tpu.memory_space<hbm>>)
        %dma_wait3A_915 = arith.constant 1 : i32
        %dma_wait3A_916 = arith.constant 300 : i32
        %dma_wait3A_917 = arith.constant 0 : i32
        %dma_wait3A_918 = tpu.memref_slice %arg6[%dma_wait3A_915, %dma_wait3A_916, %dma_wait3A_917] : memref<2x400x64xf32, #tpu.memory_space<vmem>> -> memref<1x50x64xf32, #tpu.memory_space<vmem>>
        %dma_wait3A_919 = tpu.memref_squeeze %dma_wait3A_918 : memref<1x50x64xf32, #tpu.memory_space<vmem>> -> memref<50x64xf32, #tpu.memory_space<vmem>>
        %dma_wait3A_920 = arith.constant 0 : i32
        %dma_wait3A_921 = arith.constant 0 : i32
        %dma_wait3A_922 = tpu.memref_slice %arg4[%add3A_807, %dma_wait3A_920, %dma_wait3A_921] : memref<16384x50x64xf32, #tpu.memory_space<hbm>> -> memref<1x50x64xf32, #tpu.memory_space<hbm>>
        %dma_wait3A_923 = tpu.memref_squeeze %dma_wait3A_922 : memref<1x50x64xf32, #tpu.memory_space<hbm>> -> memref<50x64xf32, #tpu.memory_space<hbm>>
        %dma_wait3A_924 = arith.constant 0 : i32
        %dma_wait3A_925 = arith.constant 0 : i32
        %dma_wait3A_926 = tpu.memref_slice %arg4[%add3A_807, %dma_wait3A_924, %dma_wait3A_925] : memref<16384x50x64xf32, #tpu.memory_space<hbm>> -> memref<1x50x64xf32, #tpu.memory_space<hbm>>
        %dma_wait3A_927 = tpu.memref_squeeze %dma_wait3A_926 : memref<1x50x64xf32, #tpu.memory_space<hbm>> -> memref<50x64xf32, #tpu.memory_space<hbm>>
        %dma_wait3A_928 = arith.constant 300 : i32
        %dma_wait3A_929 = arith.constant 0 : i32
        %dma_wait3A_930 = tpu.memref_slice %arg6[%dma_wait3A_915, %dma_wait3A_928, %dma_wait3A_929] : memref<2x400x64xf32, #tpu.memory_space<vmem>> -> memref<1x50x64xf32, #tpu.memory_space<vmem>>
        %dma_wait3A_931 = tpu.memref_squeeze %dma_wait3A_930 : memref<1x50x64xf32, #tpu.memory_space<vmem>> -> memref<50x64xf32, #tpu.memory_space<vmem>>
        tpu.wait_dma2 semaphore(%arg11 : memref<!tpu.dma_semaphore, #tpu.memory_space<semaphore_mem>>) src(%dma_wait3A_931 : memref<50x64xf32, #tpu.memory_space<vmem>>) dst(%dma_wait3A_927 : memref<50x64xf32, #tpu.memory_space<hbm>>)
        %dma_wait3A_932 = arith.constant 1 : i32
        %dma_wait3A_933 = arith.constant 350 : i32
        %dma_wait3A_934 = arith.constant 0 : i32
        %dma_wait3A_935 = tpu.memref_slice %arg6[%dma_wait3A_932, %dma_wait3A_933, %dma_wait3A_934] : memref<2x400x64xf32, #tpu.memory_space<vmem>> -> memref<1x50x64xf32, #tpu.memory_space<vmem>>
        %dma_wait3A_936 = tpu.memref_squeeze %dma_wait3A_935 : memref<1x50x64xf32, #tpu.memory_space<vmem>> -> memref<50x64xf32, #tpu.memory_space<vmem>>
        %dma_wait3A_937 = arith.constant 0 : i32
        %dma_wait3A_938 = arith.constant 0 : i32
        %dma_wait3A_939 = tpu.memref_slice %arg4[%add3A_812, %dma_wait3A_937, %dma_wait3A_938] : memref<16384x50x64xf32, #tpu.memory_space<hbm>> -> memref<1x50x64xf32, #tpu.memory_space<hbm>>
        %dma_wait3A_940 = tpu.memref_squeeze %dma_wait3A_939 : memref<1x50x64xf32, #tpu.memory_space<hbm>> -> memref<50x64xf32, #tpu.memory_space<hbm>>
        %dma_wait3A_941 = arith.constant 0 : i32
        %dma_wait3A_942 = arith.constant 0 : i32
        %dma_wait3A_943 = tpu.memref_slice %arg4[%add3A_812, %dma_wait3A_941, %dma_wait3A_942] : memref<16384x50x64xf32, #tpu.memory_space<hbm>> -> memref<1x50x64xf32, #tpu.memory_space<hbm>>
        %dma_wait3A_944 = tpu.memref_squeeze %dma_wait3A_943 : memref<1x50x64xf32, #tpu.memory_space<hbm>> -> memref<50x64xf32, #tpu.memory_space<hbm>>
        %dma_wait3A_945 = arith.constant 350 : i32
        %dma_wait3A_946 = arith.constant 0 : i32
        %dma_wait3A_947 = tpu.memref_slice %arg6[%dma_wait3A_932, %dma_wait3A_945, %dma_wait3A_946] : memref<2x400x64xf32, #tpu.memory_space<vmem>> -> memref<1x50x64xf32, #tpu.memory_space<vmem>>
        %dma_wait3A_948 = tpu.memref_squeeze %dma_wait3A_947 : memref<1x50x64xf32, #tpu.memory_space<vmem>> -> memref<50x64xf32, #tpu.memory_space<vmem>>
        tpu.wait_dma2 semaphore(%arg11 : memref<!tpu.dma_semaphore, #tpu.memory_space<semaphore_mem>>) src(%dma_wait3A_948 : memref<50x64xf32, #tpu.memory_space<vmem>>) dst(%dma_wait3A_944 : memref<50x64xf32, #tpu.memory_space<hbm>>)
        %add3A_949 = arith.constant 1 : i32
        %add3A_950 = arith.addi %mul3A_370, %add3A_949 : i32
        %add3A_951 = arith.constant 2 : i32
        %add3A_952 = arith.addi %add3A_950, %add3A_951 : i32
        %mul3A_953 = arith.constant 400 : i32
        %mul3A_954 = arith.muli %add3A_952, %mul3A_953 : i32
        %dma_start3A_955 = arith.constant 1 : i32
        %dma_start3A_956 = arith.constant 0 : i32
        %dma_start3A_957 = arith.constant 0 : i32
        %dma_start3A_958 = tpu.memref_slice %arg6[%dma_start3A_955, %dma_start3A_956, %dma_start3A_957] : memref<2x400x64xf32, #tpu.memory_space<vmem>> -> memref<1x400x64xf32, #tpu.memory_space<vmem>>
        %dma_start3A_959 = tpu.memref_squeeze %dma_start3A_958 : memref<1x400x64xf32, #tpu.memory_space<vmem>> -> memref<400x64xf32, #tpu.memory_space<vmem>>
        %dma_start3A_960 = tpu.memref_slice %arg5[%mul3A_954] : memref<25600xi32, #tpu.memory_space<vmem>> -> memref<400xi32, #tpu.memory_space<vmem>>
        %dma_start3A_961 = arith.constant 0 : i32
        %dma_start3A_962 = arith.constant 0 : i32
        %dma_start3A_963 = tpu.memref_slice %arg7[%dma_start3A_961, %dma_start3A_962] : memref<1000x64xf32, #tpu.memory_space<vmem_shared>> -> memref<1000x64xf32, #tpu.memory_space<vmem_shared>>
        tpu.enqueue_indirect_dma source(%dma_start3A_963 : memref<1000x64xf32, #tpu.memory_space<vmem_shared>>) target(%dma_start3A_959 : memref<400x64xf32, #tpu.memory_space<vmem>>) offsets(%dma_start3A_960 : memref<400xi32, #tpu.memory_space<vmem>>) semaphore(%arg9 : memref<!tpu.dma_semaphore, #tpu.memory_space<semaphore_mem>>)
      } else {
      }
      %scan3A_770 = arith.constant 0 : i32
      scf.yield %scan3A_770 : i32
    }
    %scan3A_31 = arith.constant 32 : i32
    %add3A_32 = arith.constant 496 : i32
    %add3A_33 = arith.addi %mul3A_4, %add3A_32 : i32
    %add3A_34 = arith.constant 0 : i32
    %add3A_35 = arith.addi %add3A_33, %add3A_34 : i32
    %add3A_36 = arith.constant 496 : i32
    %add3A_37 = arith.addi %mul3A_4, %add3A_36 : i32
    %add3A_38 = arith.constant 1 : i32
    %add3A_39 = arith.addi %add3A_37, %add3A_38 : i32
    %add3A_40 = arith.constant 496 : i32
    %add3A_41 = arith.addi %mul3A_4, %add3A_40 : i32
    %add3A_42 = arith.constant 2 : i32
    %add3A_43 = arith.addi %add3A_41, %add3A_42 : i32
    %add3A_44 = arith.constant 496 : i32
    %add3A_45 = arith.addi %mul3A_4, %add3A_44 : i32
    %add3A_46 = arith.constant 3 : i32
    %add3A_47 = arith.addi %add3A_45, %add3A_46 : i32
    %add3A_48 = arith.constant 496 : i32
    %add3A_49 = arith.addi %mul3A_4, %add3A_48 : i32
    %add3A_50 = arith.constant 4 : i32
    %add3A_51 = arith.addi %add3A_49, %add3A_50 : i32
    %add3A_52 = arith.constant 496 : i32
    %add3A_53 = arith.addi %mul3A_4, %add3A_52 : i32
    %add3A_54 = arith.constant 5 : i32
    %add3A_55 = arith.addi %add3A_53, %add3A_54 : i32
    %add3A_56 = arith.constant 496 : i32
    %add3A_57 = arith.addi %mul3A_4, %add3A_56 : i32
    %add3A_58 = arith.constant 6 : i32
    %add3A_59 = arith.addi %add3A_57, %add3A_58 : i32
    %add3A_60 = arith.constant 496 : i32
    %add3A_61 = arith.addi %mul3A_4, %add3A_60 : i32
    %add3A_62 = arith.constant 7 : i32
    %add3A_63 = arith.addi %add3A_61, %add3A_62 : i32
    %dma_wait3A = arith.constant 0 : i32
    %dma_wait3A_64 = arith.constant 0 : i32
    %dma_wait3A_65 = arith.constant 0 : i32
    %dma_wait3A_66 = tpu.memref_slice %arg6[%dma_wait3A, %dma_wait3A_64, %dma_wait3A_65] : memref<2x400x64xf32, #tpu.memory_space<vmem>> -> memref<1x50x64xf32, #tpu.memory_space<vmem>>
    %dma_wait3A_67 = tpu.memref_squeeze %dma_wait3A_66 : memref<1x50x64xf32, #tpu.memory_space<vmem>> -> memref<50x64xf32, #tpu.memory_space<vmem>>
    %dma_wait3A_68 = arith.constant 0 : i32
    %dma_wait3A_69 = arith.constant 0 : i32
    %dma_wait3A_70 = tpu.memref_slice %arg4[%add3A_35, %dma_wait3A_68, %dma_wait3A_69] : memref<16384x50x64xf32, #tpu.memory_space<hbm>> -> memref<1x50x64xf32, #tpu.memory_space<hbm>>
    %dma_wait3A_71 = tpu.memref_squeeze %dma_wait3A_70 : memref<1x50x64xf32, #tpu.memory_space<hbm>> -> memref<50x64xf32, #tpu.memory_space<hbm>>
    %dma_wait3A_72 = arith.constant 0 : i32
    %dma_wait3A_73 = arith.constant 0 : i32
    %dma_wait3A_74 = tpu.memref_slice %arg4[%add3A_35, %dma_wait3A_72, %dma_wait3A_73] : memref<16384x50x64xf32, #tpu.memory_space<hbm>> -> memref<1x50x64xf32, #tpu.memory_space<hbm>>
    %dma_wait3A_75 = tpu.memref_squeeze %dma_wait3A_74 : memref<1x50x64xf32, #tpu.memory_space<hbm>> -> memref<50x64xf32, #tpu.memory_space<hbm>>
    %dma_wait3A_76 = arith.constant 0 : i32
    %dma_wait3A_77 = arith.constant 0 : i32
    %dma_wait3A_78 = tpu.memref_slice %arg6[%dma_wait3A, %dma_wait3A_76, %dma_wait3A_77] : memref<2x400x64xf32, #tpu.memory_space<vmem>> -> memref<1x50x64xf32, #tpu.memory_space<vmem>>
    %dma_wait3A_79 = tpu.memref_squeeze %dma_wait3A_78 : memref<1x50x64xf32, #tpu.memory_space<vmem>> -> memref<50x64xf32, #tpu.memory_space<vmem>>
    tpu.wait_dma2 semaphore(%arg10 : memref<!tpu.dma_semaphore, #tpu.memory_space<semaphore_mem>>) src(%dma_wait3A_79 : memref<50x64xf32, #tpu.memory_space<vmem>>) dst(%dma_wait3A_75 : memref<50x64xf32, #tpu.memory_space<hbm>>)
    %dma_wait3A_80 = arith.constant 0 : i32
    %dma_wait3A_81 = arith.constant 50 : i32
    %dma_wait3A_82 = arith.constant 0 : i32
    %dma_wait3A_83 = tpu.memref_slice %arg6[%dma_wait3A_80, %dma_wait3A_81, %dma_wait3A_82] : memref<2x400x64xf32, #tpu.memory_space<vmem>> -> memref<1x50x64xf32, #tpu.memory_space<vmem>>
    %dma_wait3A_84 = tpu.memref_squeeze %dma_wait3A_83 : memref<1x50x64xf32, #tpu.memory_space<vmem>> -> memref<50x64xf32, #tpu.memory_space<vmem>>
    %dma_wait3A_85 = arith.constant 0 : i32
    %dma_wait3A_86 = arith.constant 0 : i32
    %dma_wait3A_87 = tpu.memref_slice %arg4[%add3A_39, %dma_wait3A_85, %dma_wait3A_86] : memref<16384x50x64xf32, #tpu.memory_space<hbm>> -> memref<1x50x64xf32, #tpu.memory_space<hbm>>
    %dma_wait3A_88 = tpu.memref_squeeze %dma_wait3A_87 : memref<1x50x64xf32, #tpu.memory_space<hbm>> -> memref<50x64xf32, #tpu.memory_space<hbm>>
    %dma_wait3A_89 = arith.constant 0 : i32
    %dma_wait3A_90 = arith.constant 0 : i32
    %dma_wait3A_91 = tpu.memref_slice %arg4[%add3A_39, %dma_wait3A_89, %dma_wait3A_90] : memref<16384x50x64xf32, #tpu.memory_space<hbm>> -> memref<1x50x64xf32, #tpu.memory_space<hbm>>
    %dma_wait3A_92 = tpu.memref_squeeze %dma_wait3A_91 : memref<1x50x64xf32, #tpu.memory_space<hbm>> -> memref<50x64xf32, #tpu.memory_space<hbm>>
    %dma_wait3A_93 = arith.constant 50 : i32
    %dma_wait3A_94 = arith.constant 0 : i32
    %dma_wait3A_95 = tpu.memref_slice %arg6[%dma_wait3A_80, %dma_wait3A_93, %dma_wait3A_94] : memref<2x400x64xf32, #tpu.memory_space<vmem>> -> memref<1x50x64xf32, #tpu.memory_space<vmem>>
    %dma_wait3A_96 = tpu.memref_squeeze %dma_wait3A_95 : memref<1x50x64xf32, #tpu.memory_space<vmem>> -> memref<50x64xf32, #tpu.memory_space<vmem>>
    tpu.wait_dma2 semaphore(%arg10 : memref<!tpu.dma_semaphore, #tpu.memory_space<semaphore_mem>>) src(%dma_wait3A_96 : memref<50x64xf32, #tpu.memory_space<vmem>>) dst(%dma_wait3A_92 : memref<50x64xf32, #tpu.memory_space<hbm>>)
    %dma_wait3A_97 = arith.constant 0 : i32
    %dma_wait3A_98 = arith.constant 100 : i32
    %dma_wait3A_99 = arith.constant 0 : i32
    %dma_wait3A_100 = tpu.memref_slice %arg6[%dma_wait3A_97, %dma_wait3A_98, %dma_wait3A_99] : memref<2x400x64xf32, #tpu.memory_space<vmem>> -> memref<1x50x64xf32, #tpu.memory_space<vmem>>
    %dma_wait3A_101 = tpu.memref_squeeze %dma_wait3A_100 : memref<1x50x64xf32, #tpu.memory_space<vmem>> -> memref<50x64xf32, #tpu.memory_space<vmem>>
    %dma_wait3A_102 = arith.constant 0 : i32
    %dma_wait3A_103 = arith.constant 0 : i32
    %dma_wait3A_104 = tpu.memref_slice %arg4[%add3A_43, %dma_wait3A_102, %dma_wait3A_103] : memref<16384x50x64xf32, #tpu.memory_space<hbm>> -> memref<1x50x64xf32, #tpu.memory_space<hbm>>
    %dma_wait3A_105 = tpu.memref_squeeze %dma_wait3A_104 : memref<1x50x64xf32, #tpu.memory_space<hbm>> -> memref<50x64xf32, #tpu.memory_space<hbm>>
    %dma_wait3A_106 = arith.constant 0 : i32
    %dma_wait3A_107 = arith.constant 0 : i32
    %dma_wait3A_108 = tpu.memref_slice %arg4[%add3A_43, %dma_wait3A_106, %dma_wait3A_107] : memref<16384x50x64xf32, #tpu.memory_space<hbm>> -> memref<1x50x64xf32, #tpu.memory_space<hbm>>
    %dma_wait3A_109 = tpu.memref_squeeze %dma_wait3A_108 : memref<1x50x64xf32, #tpu.memory_space<hbm>> -> memref<50x64xf32, #tpu.memory_space<hbm>>
    %dma_wait3A_110 = arith.constant 100 : i32
    %dma_wait3A_111 = arith.constant 0 : i32
    %dma_wait3A_112 = tpu.memref_slice %arg6[%dma_wait3A_97, %dma_wait3A_110, %dma_wait3A_111] : memref<2x400x64xf32, #tpu.memory_space<vmem>> -> memref<1x50x64xf32, #tpu.memory_space<vmem>>
    %dma_wait3A_113 = tpu.memref_squeeze %dma_wait3A_112 : memref<1x50x64xf32, #tpu.memory_space<vmem>> -> memref<50x64xf32, #tpu.memory_space<vmem>>
    tpu.wait_dma2 semaphore(%arg10 : memref<!tpu.dma_semaphore, #tpu.memory_space<semaphore_mem>>) src(%dma_wait3A_113 : memref<50x64xf32, #tpu.memory_space<vmem>>) dst(%dma_wait3A_109 : memref<50x64xf32, #tpu.memory_space<hbm>>)
    %dma_wait3A_114 = arith.constant 0 : i32
    %dma_wait3A_115 = arith.constant 150 : i32
    %dma_wait3A_116 = arith.constant 0 : i32
    %dma_wait3A_117 = tpu.memref_slice %arg6[%dma_wait3A_114, %dma_wait3A_115, %dma_wait3A_116] : memref<2x400x64xf32, #tpu.memory_space<vmem>> -> memref<1x50x64xf32, #tpu.memory_space<vmem>>
    %dma_wait3A_118 = tpu.memref_squeeze %dma_wait3A_117 : memref<1x50x64xf32, #tpu.memory_space<vmem>> -> memref<50x64xf32, #tpu.memory_space<vmem>>
    %dma_wait3A_119 = arith.constant 0 : i32
    %dma_wait3A_120 = arith.constant 0 : i32
    %dma_wait3A_121 = tpu.memref_slice %arg4[%add3A_47, %dma_wait3A_119, %dma_wait3A_120] : memref<16384x50x64xf32, #tpu.memory_space<hbm>> -> memref<1x50x64xf32, #tpu.memory_space<hbm>>
    %dma_wait3A_122 = tpu.memref_squeeze %dma_wait3A_121 : memref<1x50x64xf32, #tpu.memory_space<hbm>> -> memref<50x64xf32, #tpu.memory_space<hbm>>
    %dma_wait3A_123 = arith.constant 0 : i32
    %dma_wait3A_124 = arith.constant 0 : i32
    %dma_wait3A_125 = tpu.memref_slice %arg4[%add3A_47, %dma_wait3A_123, %dma_wait3A_124] : memref<16384x50x64xf32, #tpu.memory_space<hbm>> -> memref<1x50x64xf32, #tpu.memory_space<hbm>>
    %dma_wait3A_126 = tpu.memref_squeeze %dma_wait3A_125 : memref<1x50x64xf32, #tpu.memory_space<hbm>> -> memref<50x64xf32, #tpu.memory_space<hbm>>
    %dma_wait3A_127 = arith.constant 150 : i32
    %dma_wait3A_128 = arith.constant 0 : i32
    %dma_wait3A_129 = tpu.memref_slice %arg6[%dma_wait3A_114, %dma_wait3A_127, %dma_wait3A_128] : memref<2x400x64xf32, #tpu.memory_space<vmem>> -> memref<1x50x64xf32, #tpu.memory_space<vmem>>
    %dma_wait3A_130 = tpu.memref_squeeze %dma_wait3A_129 : memref<1x50x64xf32, #tpu.memory_space<vmem>> -> memref<50x64xf32, #tpu.memory_space<vmem>>
    tpu.wait_dma2 semaphore(%arg10 : memref<!tpu.dma_semaphore, #tpu.memory_space<semaphore_mem>>) src(%dma_wait3A_130 : memref<50x64xf32, #tpu.memory_space<vmem>>) dst(%dma_wait3A_126 : memref<50x64xf32, #tpu.memory_space<hbm>>)
    %dma_wait3A_131 = arith.constant 0 : i32
    %dma_wait3A_132 = arith.constant 200 : i32
    %dma_wait3A_133 = arith.constant 0 : i32
    %dma_wait3A_134 = tpu.memref_slice %arg6[%dma_wait3A_131, %dma_wait3A_132, %dma_wait3A_133] : memref<2x400x64xf32, #tpu.memory_space<vmem>> -> memref<1x50x64xf32, #tpu.memory_space<vmem>>
    %dma_wait3A_135 = tpu.memref_squeeze %dma_wait3A_134 : memref<1x50x64xf32, #tpu.memory_space<vmem>> -> memref<50x64xf32, #tpu.memory_space<vmem>>
    %dma_wait3A_136 = arith.constant 0 : i32
    %dma_wait3A_137 = arith.constant 0 : i32
    %dma_wait3A_138 = tpu.memref_slice %arg4[%add3A_51, %dma_wait3A_136, %dma_wait3A_137] : memref<16384x50x64xf32, #tpu.memory_space<hbm>> -> memref<1x50x64xf32, #tpu.memory_space<hbm>>
    %dma_wait3A_139 = tpu.memref_squeeze %dma_wait3A_138 : memref<1x50x64xf32, #tpu.memory_space<hbm>> -> memref<50x64xf32, #tpu.memory_space<hbm>>
    %dma_wait3A_140 = arith.constant 0 : i32
    %dma_wait3A_141 = arith.constant 0 : i32
    %dma_wait3A_142 = tpu.memref_slice %arg4[%add3A_51, %dma_wait3A_140, %dma_wait3A_141] : memref<16384x50x64xf32, #tpu.memory_space<hbm>> -> memref<1x50x64xf32, #tpu.memory_space<hbm>>
    %dma_wait3A_143 = tpu.memref_squeeze %dma_wait3A_142 : memref<1x50x64xf32, #tpu.memory_space<hbm>> -> memref<50x64xf32, #tpu.memory_space<hbm>>
    %dma_wait3A_144 = arith.constant 200 : i32
    %dma_wait3A_145 = arith.constant 0 : i32
    %dma_wait3A_146 = tpu.memref_slice %arg6[%dma_wait3A_131, %dma_wait3A_144, %dma_wait3A_145] : memref<2x400x64xf32, #tpu.memory_space<vmem>> -> memref<1x50x64xf32, #tpu.memory_space<vmem>>
    %dma_wait3A_147 = tpu.memref_squeeze %dma_wait3A_146 : memref<1x50x64xf32, #tpu.memory_space<vmem>> -> memref<50x64xf32, #tpu.memory_space<vmem>>
    tpu.wait_dma2 semaphore(%arg10 : memref<!tpu.dma_semaphore, #tpu.memory_space<semaphore_mem>>) src(%dma_wait3A_147 : memref<50x64xf32, #tpu.memory_space<vmem>>) dst(%dma_wait3A_143 : memref<50x64xf32, #tpu.memory_space<hbm>>)
    %dma_wait3A_148 = arith.constant 0 : i32
    %dma_wait3A_149 = arith.constant 250 : i32
    %dma_wait3A_150 = arith.constant 0 : i32
    %dma_wait3A_151 = tpu.memref_slice %arg6[%dma_wait3A_148, %dma_wait3A_149, %dma_wait3A_150] : memref<2x400x64xf32, #tpu.memory_space<vmem>> -> memref<1x50x64xf32, #tpu.memory_space<vmem>>
    %dma_wait3A_152 = tpu.memref_squeeze %dma_wait3A_151 : memref<1x50x64xf32, #tpu.memory_space<vmem>> -> memref<50x64xf32, #tpu.memory_space<vmem>>
    %dma_wait3A_153 = arith.constant 0 : i32
    %dma_wait3A_154 = arith.constant 0 : i32
    %dma_wait3A_155 = tpu.memref_slice %arg4[%add3A_55, %dma_wait3A_153, %dma_wait3A_154] : memref<16384x50x64xf32, #tpu.memory_space<hbm>> -> memref<1x50x64xf32, #tpu.memory_space<hbm>>
    %dma_wait3A_156 = tpu.memref_squeeze %dma_wait3A_155 : memref<1x50x64xf32, #tpu.memory_space<hbm>> -> memref<50x64xf32, #tpu.memory_space<hbm>>
    %dma_wait3A_157 = arith.constant 0 : i32
    %dma_wait3A_158 = arith.constant 0 : i32
    %dma_wait3A_159 = tpu.memref_slice %arg4[%add3A_55, %dma_wait3A_157, %dma_wait3A_158] : memref<16384x50x64xf32, #tpu.memory_space<hbm>> -> memref<1x50x64xf32, #tpu.memory_space<hbm>>
    %dma_wait3A_160 = tpu.memref_squeeze %dma_wait3A_159 : memref<1x50x64xf32, #tpu.memory_space<hbm>> -> memref<50x64xf32, #tpu.memory_space<hbm>>
    %dma_wait3A_161 = arith.constant 250 : i32
    %dma_wait3A_162 = arith.constant 0 : i32
    %dma_wait3A_163 = tpu.memref_slice %arg6[%dma_wait3A_148, %dma_wait3A_161, %dma_wait3A_162] : memref<2x400x64xf32, #tpu.memory_space<vmem>> -> memref<1x50x64xf32, #tpu.memory_space<vmem>>
    %dma_wait3A_164 = tpu.memref_squeeze %dma_wait3A_163 : memref<1x50x64xf32, #tpu.memory_space<vmem>> -> memref<50x64xf32, #tpu.memory_space<vmem>>
    tpu.wait_dma2 semaphore(%arg10 : memref<!tpu.dma_semaphore, #tpu.memory_space<semaphore_mem>>) src(%dma_wait3A_164 : memref<50x64xf32, #tpu.memory_space<vmem>>) dst(%dma_wait3A_160 : memref<50x64xf32, #tpu.memory_space<hbm>>)
    %dma_wait3A_165 = arith.constant 0 : i32
    %dma_wait3A_166 = arith.constant 300 : i32
    %dma_wait3A_167 = arith.constant 0 : i32
    %dma_wait3A_168 = tpu.memref_slice %arg6[%dma_wait3A_165, %dma_wait3A_166, %dma_wait3A_167] : memref<2x400x64xf32, #tpu.memory_space<vmem>> -> memref<1x50x64xf32, #tpu.memory_space<vmem>>
    %dma_wait3A_169 = tpu.memref_squeeze %dma_wait3A_168 : memref<1x50x64xf32, #tpu.memory_space<vmem>> -> memref<50x64xf32, #tpu.memory_space<vmem>>
    %dma_wait3A_170 = arith.constant 0 : i32
    %dma_wait3A_171 = arith.constant 0 : i32
    %dma_wait3A_172 = tpu.memref_slice %arg4[%add3A_59, %dma_wait3A_170, %dma_wait3A_171] : memref<16384x50x64xf32, #tpu.memory_space<hbm>> -> memref<1x50x64xf32, #tpu.memory_space<hbm>>
    %dma_wait3A_173 = tpu.memref_squeeze %dma_wait3A_172 : memref<1x50x64xf32, #tpu.memory_space<hbm>> -> memref<50x64xf32, #tpu.memory_space<hbm>>
    %dma_wait3A_174 = arith.constant 0 : i32
    %dma_wait3A_175 = arith.constant 0 : i32
    %dma_wait3A_176 = tpu.memref_slice %arg4[%add3A_59, %dma_wait3A_174, %dma_wait3A_175] : memref<16384x50x64xf32, #tpu.memory_space<hbm>> -> memref<1x50x64xf32, #tpu.memory_space<hbm>>
    %dma_wait3A_177 = tpu.memref_squeeze %dma_wait3A_176 : memref<1x50x64xf32, #tpu.memory_space<hbm>> -> memref<50x64xf32, #tpu.memory_space<hbm>>
    %dma_wait3A_178 = arith.constant 300 : i32
    %dma_wait3A_179 = arith.constant 0 : i32
    %dma_wait3A_180 = tpu.memref_slice %arg6[%dma_wait3A_165, %dma_wait3A_178, %dma_wait3A_179] : memref<2x400x64xf32, #tpu.memory_space<vmem>> -> memref<1x50x64xf32, #tpu.memory_space<vmem>>
    %dma_wait3A_181 = tpu.memref_squeeze %dma_wait3A_180 : memref<1x50x64xf32, #tpu.memory_space<vmem>> -> memref<50x64xf32, #tpu.memory_space<vmem>>
    tpu.wait_dma2 semaphore(%arg10 : memref<!tpu.dma_semaphore, #tpu.memory_space<semaphore_mem>>) src(%dma_wait3A_181 : memref<50x64xf32, #tpu.memory_space<vmem>>) dst(%dma_wait3A_177 : memref<50x64xf32, #tpu.memory_space<hbm>>)
    %dma_wait3A_182 = arith.constant 0 : i32
    %dma_wait3A_183 = arith.constant 350 : i32
    %dma_wait3A_184 = arith.constant 0 : i32
    %dma_wait3A_185 = tpu.memref_slice %arg6[%dma_wait3A_182, %dma_wait3A_183, %dma_wait3A_184] : memref<2x400x64xf32, #tpu.memory_space<vmem>> -> memref<1x50x64xf32, #tpu.memory_space<vmem>>
    %dma_wait3A_186 = tpu.memref_squeeze %dma_wait3A_185 : memref<1x50x64xf32, #tpu.memory_space<vmem>> -> memref<50x64xf32, #tpu.memory_space<vmem>>
    %dma_wait3A_187 = arith.constant 0 : i32
    %dma_wait3A_188 = arith.constant 0 : i32
    %dma_wait3A_189 = tpu.memref_slice %arg4[%add3A_63, %dma_wait3A_187, %dma_wait3A_188] : memref<16384x50x64xf32, #tpu.memory_space<hbm>> -> memref<1x50x64xf32, #tpu.memory_space<hbm>>
    %dma_wait3A_190 = tpu.memref_squeeze %dma_wait3A_189 : memref<1x50x64xf32, #tpu.memory_space<hbm>> -> memref<50x64xf32, #tpu.memory_space<hbm>>
    %dma_wait3A_191 = arith.constant 0 : i32
    %dma_wait3A_192 = arith.constant 0 : i32
    %dma_wait3A_193 = tpu.memref_slice %arg4[%add3A_63, %dma_wait3A_191, %dma_wait3A_192] : memref<16384x50x64xf32, #tpu.memory_space<hbm>> -> memref<1x50x64xf32, #tpu.memory_space<hbm>>
    %dma_wait3A_194 = tpu.memref_squeeze %dma_wait3A_193 : memref<1x50x64xf32, #tpu.memory_space<hbm>> -> memref<50x64xf32, #tpu.memory_space<hbm>>
    %dma_wait3A_195 = arith.constant 350 : i32
    %dma_wait3A_196 = arith.constant 0 : i32
    %dma_wait3A_197 = tpu.memref_slice %arg6[%dma_wait3A_182, %dma_wait3A_195, %dma_wait3A_196] : memref<2x400x64xf32, #tpu.memory_space<vmem>> -> memref<1x50x64xf32, #tpu.memory_space<vmem>>
    %dma_wait3A_198 = tpu.memref_squeeze %dma_wait3A_197 : memref<1x50x64xf32, #tpu.memory_space<vmem>> -> memref<50x64xf32, #tpu.memory_space<vmem>>
    tpu.wait_dma2 semaphore(%arg10 : memref<!tpu.dma_semaphore, #tpu.memory_space<semaphore_mem>>) src(%dma_wait3A_198 : memref<50x64xf32, #tpu.memory_space<vmem>>) dst(%dma_wait3A_194 : memref<50x64xf32, #tpu.memory_space<hbm>>)
    %add3A_199 = arith.constant 504 : i32
    %add3A_200 = arith.addi %mul3A_4, %add3A_199 : i32
    %add3A_201 = arith.constant 0 : i32
    %add3A_202 = arith.addi %add3A_200, %add3A_201 : i32
    %add3A_203 = arith.constant 504 : i32
    %add3A_204 = arith.addi %mul3A_4, %add3A_203 : i32
    %add3A_205 = arith.constant 1 : i32
    %add3A_206 = arith.addi %add3A_204, %add3A_205 : i32
    %add3A_207 = arith.constant 504 : i32
    %add3A_208 = arith.addi %mul3A_4, %add3A_207 : i32
    %add3A_209 = arith.constant 2 : i32
    %add3A_210 = arith.addi %add3A_208, %add3A_209 : i32
    %add3A_211 = arith.constant 504 : i32
    %add3A_212 = arith.addi %mul3A_4, %add3A_211 : i32
    %add3A_213 = arith.constant 3 : i32
    %add3A_214 = arith.addi %add3A_212, %add3A_213 : i32
    %add3A_215 = arith.constant 504 : i32
    %add3A_216 = arith.addi %mul3A_4, %add3A_215 : i32
    %add3A_217 = arith.constant 4 : i32
    %add3A_218 = arith.addi %add3A_216, %add3A_217 : i32
    %add3A_219 = arith.constant 504 : i32
    %add3A_220 = arith.addi %mul3A_4, %add3A_219 : i32
    %add3A_221 = arith.constant 5 : i32
    %add3A_222 = arith.addi %add3A_220, %add3A_221 : i32
    %add3A_223 = arith.constant 504 : i32
    %add3A_224 = arith.addi %mul3A_4, %add3A_223 : i32
    %add3A_225 = arith.constant 6 : i32
    %add3A_226 = arith.addi %add3A_224, %add3A_225 : i32
    %add3A_227 = arith.constant 504 : i32
    %add3A_228 = arith.addi %mul3A_4, %add3A_227 : i32
    %add3A_229 = arith.constant 7 : i32
    %add3A_230 = arith.addi %add3A_228, %add3A_229 : i32
    %dma_wait3A_231 = arith.constant 1 : i32
    %dma_wait3A_232 = arith.constant 0 : i32
    %dma_wait3A_233 = arith.constant 0 : i32
    %dma_wait3A_234 = tpu.memref_slice %arg6[%dma_wait3A_231, %dma_wait3A_232, %dma_wait3A_233] : memref<2x400x64xf32, #tpu.memory_space<vmem>> -> memref<1x50x64xf32, #tpu.memory_space<vmem>>
    %dma_wait3A_235 = tpu.memref_squeeze %dma_wait3A_234 : memref<1x50x64xf32, #tpu.memory_space<vmem>> -> memref<50x64xf32, #tpu.memory_space<vmem>>
    %dma_wait3A_236 = arith.constant 0 : i32
    %dma_wait3A_237 = arith.constant 0 : i32
    %dma_wait3A_238 = tpu.memref_slice %arg4[%add3A_202, %dma_wait3A_236, %dma_wait3A_237] : memref<16384x50x64xf32, #tpu.memory_space<hbm>> -> memref<1x50x64xf32, #tpu.memory_space<hbm>>
    %dma_wait3A_239 = tpu.memref_squeeze %dma_wait3A_238 : memref<1x50x64xf32, #tpu.memory_space<hbm>> -> memref<50x64xf32, #tpu.memory_space<hbm>>
    %dma_wait3A_240 = arith.constant 0 : i32
    %dma_wait3A_241 = arith.constant 0 : i32
    %dma_wait3A_242 = tpu.memref_slice %arg4[%add3A_202, %dma_wait3A_240, %dma_wait3A_241] : memref<16384x50x64xf32, #tpu.memory_space<hbm>> -> memref<1x50x64xf32, #tpu.memory_space<hbm>>
    %dma_wait3A_243 = tpu.memref_squeeze %dma_wait3A_242 : memref<1x50x64xf32, #tpu.memory_space<hbm>> -> memref<50x64xf32, #tpu.memory_space<hbm>>
    %dma_wait3A_244 = arith.constant 0 : i32
    %dma_wait3A_245 = arith.constant 0 : i32
    %dma_wait3A_246 = tpu.memref_slice %arg6[%dma_wait3A_231, %dma_wait3A_244, %dma_wait3A_245] : memref<2x400x64xf32, #tpu.memory_space<vmem>> -> memref<1x50x64xf32, #tpu.memory_space<vmem>>
    %dma_wait3A_247 = tpu.memref_squeeze %dma_wait3A_246 : memref<1x50x64xf32, #tpu.memory_space<vmem>> -> memref<50x64xf32, #tpu.memory_space<vmem>>
    tpu.wait_dma2 semaphore(%arg11 : memref<!tpu.dma_semaphore, #tpu.memory_space<semaphore_mem>>) src(%dma_wait3A_247 : memref<50x64xf32, #tpu.memory_space<vmem>>) dst(%dma_wait3A_243 : memref<50x64xf32, #tpu.memory_space<hbm>>)
    %dma_wait3A_248 = arith.constant 1 : i32
    %dma_wait3A_249 = arith.constant 50 : i32
    %dma_wait3A_250 = arith.constant 0 : i32
    %dma_wait3A_251 = tpu.memref_slice %arg6[%dma_wait3A_248, %dma_wait3A_249, %dma_wait3A_250] : memref<2x400x64xf32, #tpu.memory_space<vmem>> -> memref<1x50x64xf32, #tpu.memory_space<vmem>>
    %dma_wait3A_252 = tpu.memref_squeeze %dma_wait3A_251 : memref<1x50x64xf32, #tpu.memory_space<vmem>> -> memref<50x64xf32, #tpu.memory_space<vmem>>
    %dma_wait3A_253 = arith.constant 0 : i32
    %dma_wait3A_254 = arith.constant 0 : i32
    %dma_wait3A_255 = tpu.memref_slice %arg4[%add3A_206, %dma_wait3A_253, %dma_wait3A_254] : memref<16384x50x64xf32, #tpu.memory_space<hbm>> -> memref<1x50x64xf32, #tpu.memory_space<hbm>>
    %dma_wait3A_256 = tpu.memref_squeeze %dma_wait3A_255 : memref<1x50x64xf32, #tpu.memory_space<hbm>> -> memref<50x64xf32, #tpu.memory_space<hbm>>
    %dma_wait3A_257 = arith.constant 0 : i32
    %dma_wait3A_258 = arith.constant 0 : i32
    %dma_wait3A_259 = tpu.memref_slice %arg4[%add3A_206, %dma_wait3A_257, %dma_wait3A_258] : memref<16384x50x64xf32, #tpu.memory_space<hbm>> -> memref<1x50x64xf32, #tpu.memory_space<hbm>>
    %dma_wait3A_260 = tpu.memref_squeeze %dma_wait3A_259 : memref<1x50x64xf32, #tpu.memory_space<hbm>> -> memref<50x64xf32, #tpu.memory_space<hbm>>
    %dma_wait3A_261 = arith.constant 50 : i32
    %dma_wait3A_262 = arith.constant 0 : i32
    %dma_wait3A_263 = tpu.memref_slice %arg6[%dma_wait3A_248, %dma_wait3A_261, %dma_wait3A_262] : memref<2x400x64xf32, #tpu.memory_space<vmem>> -> memref<1x50x64xf32, #tpu.memory_space<vmem>>
    %dma_wait3A_264 = tpu.memref_squeeze %dma_wait3A_263 : memref<1x50x64xf32, #tpu.memory_space<vmem>> -> memref<50x64xf32, #tpu.memory_space<vmem>>
    tpu.wait_dma2 semaphore(%arg11 : memref<!tpu.dma_semaphore, #tpu.memory_space<semaphore_mem>>) src(%dma_wait3A_264 : memref<50x64xf32, #tpu.memory_space<vmem>>) dst(%dma_wait3A_260 : memref<50x64xf32, #tpu.memory_space<hbm>>)
    %dma_wait3A_265 = arith.constant 1 : i32
    %dma_wait3A_266 = arith.constant 100 : i32
    %dma_wait3A_267 = arith.constant 0 : i32
    %dma_wait3A_268 = tpu.memref_slice %arg6[%dma_wait3A_265, %dma_wait3A_266, %dma_wait3A_267] : memref<2x400x64xf32, #tpu.memory_space<vmem>> -> memref<1x50x64xf32, #tpu.memory_space<vmem>>
    %dma_wait3A_269 = tpu.memref_squeeze %dma_wait3A_268 : memref<1x50x64xf32, #tpu.memory_space<vmem>> -> memref<50x64xf32, #tpu.memory_space<vmem>>
    %dma_wait3A_270 = arith.constant 0 : i32
    %dma_wait3A_271 = arith.constant 0 : i32
    %dma_wait3A_272 = tpu.memref_slice %arg4[%add3A_210, %dma_wait3A_270, %dma_wait3A_271] : memref<16384x50x64xf32, #tpu.memory_space<hbm>> -> memref<1x50x64xf32, #tpu.memory_space<hbm>>
    %dma_wait3A_273 = tpu.memref_squeeze %dma_wait3A_272 : memref<1x50x64xf32, #tpu.memory_space<hbm>> -> memref<50x64xf32, #tpu.memory_space<hbm>>
    %dma_wait3A_274 = arith.constant 0 : i32
    %dma_wait3A_275 = arith.constant 0 : i32
    %dma_wait3A_276 = tpu.memref_slice %arg4[%add3A_210, %dma_wait3A_274, %dma_wait3A_275] : memref<16384x50x64xf32, #tpu.memory_space<hbm>> -> memref<1x50x64xf32, #tpu.memory_space<hbm>>
    %dma_wait3A_277 = tpu.memref_squeeze %dma_wait3A_276 : memref<1x50x64xf32, #tpu.memory_space<hbm>> -> memref<50x64xf32, #tpu.memory_space<hbm>>
    %dma_wait3A_278 = arith.constant 100 : i32
    %dma_wait3A_279 = arith.constant 0 : i32
    %dma_wait3A_280 = tpu.memref_slice %arg6[%dma_wait3A_265, %dma_wait3A_278, %dma_wait3A_279] : memref<2x400x64xf32, #tpu.memory_space<vmem>> -> memref<1x50x64xf32, #tpu.memory_space<vmem>>
    %dma_wait3A_281 = tpu.memref_squeeze %dma_wait3A_280 : memref<1x50x64xf32, #tpu.memory_space<vmem>> -> memref<50x64xf32, #tpu.memory_space<vmem>>
    tpu.wait_dma2 semaphore(%arg11 : memref<!tpu.dma_semaphore, #tpu.memory_space<semaphore_mem>>) src(%dma_wait3A_281 : memref<50x64xf32, #tpu.memory_space<vmem>>) dst(%dma_wait3A_277 : memref<50x64xf32, #tpu.memory_space<hbm>>)
    %dma_wait3A_282 = arith.constant 1 : i32
    %dma_wait3A_283 = arith.constant 150 : i32
    %dma_wait3A_284 = arith.constant 0 : i32
    %dma_wait3A_285 = tpu.memref_slice %arg6[%dma_wait3A_282, %dma_wait3A_283, %dma_wait3A_284] : memref<2x400x64xf32, #tpu.memory_space<vmem>> -> memref<1x50x64xf32, #tpu.memory_space<vmem>>
    %dma_wait3A_286 = tpu.memref_squeeze %dma_wait3A_285 : memref<1x50x64xf32, #tpu.memory_space<vmem>> -> memref<50x64xf32, #tpu.memory_space<vmem>>
    %dma_wait3A_287 = arith.constant 0 : i32
    %dma_wait3A_288 = arith.constant 0 : i32
    %dma_wait3A_289 = tpu.memref_slice %arg4[%add3A_214, %dma_wait3A_287, %dma_wait3A_288] : memref<16384x50x64xf32, #tpu.memory_space<hbm>> -> memref<1x50x64xf32, #tpu.memory_space<hbm>>
    %dma_wait3A_290 = tpu.memref_squeeze %dma_wait3A_289 : memref<1x50x64xf32, #tpu.memory_space<hbm>> -> memref<50x64xf32, #tpu.memory_space<hbm>>
    %dma_wait3A_291 = arith.constant 0 : i32
    %dma_wait3A_292 = arith.constant 0 : i32
    %dma_wait3A_293 = tpu.memref_slice %arg4[%add3A_214, %dma_wait3A_291, %dma_wait3A_292] : memref<16384x50x64xf32, #tpu.memory_space<hbm>> -> memref<1x50x64xf32, #tpu.memory_space<hbm>>
    %dma_wait3A_294 = tpu.memref_squeeze %dma_wait3A_293 : memref<1x50x64xf32, #tpu.memory_space<hbm>> -> memref<50x64xf32, #tpu.memory_space<hbm>>
    %dma_wait3A_295 = arith.constant 150 : i32
    %dma_wait3A_296 = arith.constant 0 : i32
    %dma_wait3A_297 = tpu.memref_slice %arg6[%dma_wait3A_282, %dma_wait3A_295, %dma_wait3A_296] : memref<2x400x64xf32, #tpu.memory_space<vmem>> -> memref<1x50x64xf32, #tpu.memory_space<vmem>>
    %dma_wait3A_298 = tpu.memref_squeeze %dma_wait3A_297 : memref<1x50x64xf32, #tpu.memory_space<vmem>> -> memref<50x64xf32, #tpu.memory_space<vmem>>
    tpu.wait_dma2 semaphore(%arg11 : memref<!tpu.dma_semaphore, #tpu.memory_space<semaphore_mem>>) src(%dma_wait3A_298 : memref<50x64xf32, #tpu.memory_space<vmem>>) dst(%dma_wait3A_294 : memref<50x64xf32, #tpu.memory_space<hbm>>)
    %dma_wait3A_299 = arith.constant 1 : i32
    %dma_wait3A_300 = arith.constant 200 : i32
    %dma_wait3A_301 = arith.constant 0 : i32
    %dma_wait3A_302 = tpu.memref_slice %arg6[%dma_wait3A_299, %dma_wait3A_300, %dma_wait3A_301] : memref<2x400x64xf32, #tpu.memory_space<vmem>> -> memref<1x50x64xf32, #tpu.memory_space<vmem>>
    %dma_wait3A_303 = tpu.memref_squeeze %dma_wait3A_302 : memref<1x50x64xf32, #tpu.memory_space<vmem>> -> memref<50x64xf32, #tpu.memory_space<vmem>>
    %dma_wait3A_304 = arith.constant 0 : i32
    %dma_wait3A_305 = arith.constant 0 : i32
    %dma_wait3A_306 = tpu.memref_slice %arg4[%add3A_218, %dma_wait3A_304, %dma_wait3A_305] : memref<16384x50x64xf32, #tpu.memory_space<hbm>> -> memref<1x50x64xf32, #tpu.memory_space<hbm>>
    %dma_wait3A_307 = tpu.memref_squeeze %dma_wait3A_306 : memref<1x50x64xf32, #tpu.memory_space<hbm>> -> memref<50x64xf32, #tpu.memory_space<hbm>>
    %dma_wait3A_308 = arith.constant 0 : i32
    %dma_wait3A_309 = arith.constant 0 : i32
    %dma_wait3A_310 = tpu.memref_slice %arg4[%add3A_218, %dma_wait3A_308, %dma_wait3A_309] : memref<16384x50x64xf32, #tpu.memory_space<hbm>> -> memref<1x50x64xf32, #tpu.memory_space<hbm>>
    %dma_wait3A_311 = tpu.memref_squeeze %dma_wait3A_310 : memref<1x50x64xf32, #tpu.memory_space<hbm>> -> memref<50x64xf32, #tpu.memory_space<hbm>>
    %dma_wait3A_312 = arith.constant 200 : i32
    %dma_wait3A_313 = arith.constant 0 : i32
    %dma_wait3A_314 = tpu.memref_slice %arg6[%dma_wait3A_299, %dma_wait3A_312, %dma_wait3A_313] : memref<2x400x64xf32, #tpu.memory_space<vmem>> -> memref<1x50x64xf32, #tpu.memory_space<vmem>>
    %dma_wait3A_315 = tpu.memref_squeeze %dma_wait3A_314 : memref<1x50x64xf32, #tpu.memory_space<vmem>> -> memref<50x64xf32, #tpu.memory_space<vmem>>
    tpu.wait_dma2 semaphore(%arg11 : memref<!tpu.dma_semaphore, #tpu.memory_space<semaphore_mem>>) src(%dma_wait3A_315 : memref<50x64xf32, #tpu.memory_space<vmem>>) dst(%dma_wait3A_311 : memref<50x64xf32, #tpu.memory_space<hbm>>)
    %dma_wait3A_316 = arith.constant 1 : i32
    %dma_wait3A_317 = arith.constant 250 : i32
    %dma_wait3A_318 = arith.constant 0 : i32
    %dma_wait3A_319 = tpu.memref_slice %arg6[%dma_wait3A_316, %dma_wait3A_317, %dma_wait3A_318] : memref<2x400x64xf32, #tpu.memory_space<vmem>> -> memref<1x50x64xf32, #tpu.memory_space<vmem>>
    %dma_wait3A_320 = tpu.memref_squeeze %dma_wait3A_319 : memref<1x50x64xf32, #tpu.memory_space<vmem>> -> memref<50x64xf32, #tpu.memory_space<vmem>>
    %dma_wait3A_321 = arith.constant 0 : i32
    %dma_wait3A_322 = arith.constant 0 : i32
    %dma_wait3A_323 = tpu.memref_slice %arg4[%add3A_222, %dma_wait3A_321, %dma_wait3A_322] : memref<16384x50x64xf32, #tpu.memory_space<hbm>> -> memref<1x50x64xf32, #tpu.memory_space<hbm>>
    %dma_wait3A_324 = tpu.memref_squeeze %dma_wait3A_323 : memref<1x50x64xf32, #tpu.memory_space<hbm>> -> memref<50x64xf32, #tpu.memory_space<hbm>>
    %dma_wait3A_325 = arith.constant 0 : i32
    %dma_wait3A_326 = arith.constant 0 : i32
    %dma_wait3A_327 = tpu.memref_slice %arg4[%add3A_222, %dma_wait3A_325, %dma_wait3A_326] : memref<16384x50x64xf32, #tpu.memory_space<hbm>> -> memref<1x50x64xf32, #tpu.memory_space<hbm>>
    %dma_wait3A_328 = tpu.memref_squeeze %dma_wait3A_327 : memref<1x50x64xf32, #tpu.memory_space<hbm>> -> memref<50x64xf32, #tpu.memory_space<hbm>>
    %dma_wait3A_329 = arith.constant 250 : i32
    %dma_wait3A_330 = arith.constant 0 : i32
    %dma_wait3A_331 = tpu.memref_slice %arg6[%dma_wait3A_316, %dma_wait3A_329, %dma_wait3A_330] : memref<2x400x64xf32, #tpu.memory_space<vmem>> -> memref<1x50x64xf32, #tpu.memory_space<vmem>>
    %dma_wait3A_332 = tpu.memref_squeeze %dma_wait3A_331 : memref<1x50x64xf32, #tpu.memory_space<vmem>> -> memref<50x64xf32, #tpu.memory_space<vmem>>
    tpu.wait_dma2 semaphore(%arg11 : memref<!tpu.dma_semaphore, #tpu.memory_space<semaphore_mem>>) src(%dma_wait3A_332 : memref<50x64xf32, #tpu.memory_space<vmem>>) dst(%dma_wait3A_328 : memref<50x64xf32, #tpu.memory_space<hbm>>)
    %dma_wait3A_333 = arith.constant 1 : i32
    %dma_wait3A_334 = arith.constant 300 : i32
    %dma_wait3A_335 = arith.constant 0 : i32
    %dma_wait3A_336 = tpu.memref_slice %arg6[%dma_wait3A_333, %dma_wait3A_334, %dma_wait3A_335] : memref<2x400x64xf32, #tpu.memory_space<vmem>> -> memref<1x50x64xf32, #tpu.memory_space<vmem>>
    %dma_wait3A_337 = tpu.memref_squeeze %dma_wait3A_336 : memref<1x50x64xf32, #tpu.memory_space<vmem>> -> memref<50x64xf32, #tpu.memory_space<vmem>>
    %dma_wait3A_338 = arith.constant 0 : i32
    %dma_wait3A_339 = arith.constant 0 : i32
    %dma_wait3A_340 = tpu.memref_slice %arg4[%add3A_226, %dma_wait3A_338, %dma_wait3A_339] : memref<16384x50x64xf32, #tpu.memory_space<hbm>> -> memref<1x50x64xf32, #tpu.memory_space<hbm>>
    %dma_wait3A_341 = tpu.memref_squeeze %dma_wait3A_340 : memref<1x50x64xf32, #tpu.memory_space<hbm>> -> memref<50x64xf32, #tpu.memory_space<hbm>>
    %dma_wait3A_342 = arith.constant 0 : i32
    %dma_wait3A_343 = arith.constant 0 : i32
    %dma_wait3A_344 = tpu.memref_slice %arg4[%add3A_226, %dma_wait3A_342, %dma_wait3A_343] : memref<16384x50x64xf32, #tpu.memory_space<hbm>> -> memref<1x50x64xf32, #tpu.memory_space<hbm>>
    %dma_wait3A_345 = tpu.memref_squeeze %dma_wait3A_344 : memref<1x50x64xf32, #tpu.memory_space<hbm>> -> memref<50x64xf32, #tpu.memory_space<hbm>>
    %dma_wait3A_346 = arith.constant 300 : i32
    %dma_wait3A_347 = arith.constant 0 : i32
    %dma_wait3A_348 = tpu.memref_slice %arg6[%dma_wait3A_333, %dma_wait3A_346, %dma_wait3A_347] : memref<2x400x64xf32, #tpu.memory_space<vmem>> -> memref<1x50x64xf32, #tpu.memory_space<vmem>>
    %dma_wait3A_349 = tpu.memref_squeeze %dma_wait3A_348 : memref<1x50x64xf32, #tpu.memory_space<vmem>> -> memref<50x64xf32, #tpu.memory_space<vmem>>
    tpu.wait_dma2 semaphore(%arg11 : memref<!tpu.dma_semaphore, #tpu.memory_space<semaphore_mem>>) src(%dma_wait3A_349 : memref<50x64xf32, #tpu.memory_space<vmem>>) dst(%dma_wait3A_345 : memref<50x64xf32, #tpu.memory_space<hbm>>)
    %dma_wait3A_350 = arith.constant 1 : i32
    %dma_wait3A_351 = arith.constant 350 : i32
    %dma_wait3A_352 = arith.constant 0 : i32
    %dma_wait3A_353 = tpu.memref_slice %arg6[%dma_wait3A_350, %dma_wait3A_351, %dma_wait3A_352] : memref<2x400x64xf32, #tpu.memory_space<vmem>> -> memref<1x50x64xf32, #tpu.memory_space<vmem>>
    %dma_wait3A_354 = tpu.memref_squeeze %dma_wait3A_353 : memref<1x50x64xf32, #tpu.memory_space<vmem>> -> memref<50x64xf32, #tpu.memory_space<vmem>>
    %dma_wait3A_355 = arith.constant 0 : i32
    %dma_wait3A_356 = arith.constant 0 : i32
    %dma_wait3A_357 = tpu.memref_slice %arg4[%add3A_230, %dma_wait3A_355, %dma_wait3A_356] : memref<16384x50x64xf32, #tpu.memory_space<hbm>> -> memref<1x50x64xf32, #tpu.memory_space<hbm>>
    %dma_wait3A_358 = tpu.memref_squeeze %dma_wait3A_357 : memref<1x50x64xf32, #tpu.memory_space<hbm>> -> memref<50x64xf32, #tpu.memory_space<hbm>>
    %dma_wait3A_359 = arith.constant 0 : i32
    %dma_wait3A_360 = arith.constant 0 : i32
    %dma_wait3A_361 = tpu.memref_slice %arg4[%add3A_230, %dma_wait3A_359, %dma_wait3A_360] : memref<16384x50x64xf32, #tpu.memory_space<hbm>> -> memref<1x50x64xf32, #tpu.memory_space<hbm>>
    %dma_wait3A_362 = tpu.memref_squeeze %dma_wait3A_361 : memref<1x50x64xf32, #tpu.memory_space<hbm>> -> memref<50x64xf32, #tpu.memory_space<hbm>>
    %dma_wait3A_363 = arith.constant 350 : i32
    %dma_wait3A_364 = arith.constant 0 : i32
    %dma_wait3A_365 = tpu.memref_slice %arg6[%dma_wait3A_350, %dma_wait3A_363, %dma_wait3A_364] : memref<2x400x64xf32, #tpu.memory_space<vmem>> -> memref<1x50x64xf32, #tpu.memory_space<vmem>>
    %dma_wait3A_366 = tpu.memref_squeeze %dma_wait3A_365 : memref<1x50x64xf32, #tpu.memory_space<vmem>> -> memref<50x64xf32, #tpu.memory_space<vmem>>
    tpu.wait_dma2 semaphore(%arg11 : memref<!tpu.dma_semaphore, #tpu.memory_space<semaphore_mem>>) src(%dma_wait3A_366 : memref<50x64xf32, #tpu.memory_space<vmem>>) dst(%dma_wait3A_362 : memref<50x64xf32, #tpu.memory_space<hbm>>)
    return
  }
}

module attributes {stable_mosaic.version = 14 : i64} {
  func.func @_scale_body(%arg0: memref<500x128xf32, #tpu.memory_space<vmem>>, %arg1: memref<500x128xf32, #tpu.memory_space<vmem>>) attributes {dimension_semantics = [], scalar_prefetch = 0 : i64, scratch_operands = 0 : i64, tpu.core_type = #tpu.core_type<tc>} {
    %get3A = arith.constant 0 : index
    %get3A_0 = arith.constant 0 : index
    %get3A_1 = vector.load %arg0[%get3A, %get3A_0] : memref<500x128xf32, #tpu.memory_space<vmem>>, vector<500x128xf32>
    %mul3A = arith.constant 8.000000e+00 : f32
    %mul3A_2 = vector.broadcast %mul3A : f32 to vector<500x128xf32>
    %mul3A_3 = arith.mulf %get3A_1, %mul3A_2 : vector<500x128xf32>
    %swap3A = arith.constant 0 : index
    %swap3A_4 = arith.constant 0 : index
    %swap3A_5 = vector.load %arg1[%swap3A, %swap3A_4] : memref<500x128xf32, #tpu.memory_space<vmem>>, vector<500x128xf32>
    tpu.vector_store %arg1[%swap3A, %swap3A_4], %mul3A_3 {strides = array<i32>} : memref<500x128xf32, #tpu.memory_space<vmem>>, vector<500x128xf32>,
    return
  }
}

</mosaic_0001>

<sc_bundles>
// kernel: kernel.4.cloned.1.call-start
scs
__scs_entry_jumppad:
0x0: {  	(pc) =	sbr.rel $0x88, $3  }
0x1: {  	(tag) =	ssettag $0x0;
	lr =	simm.s32 $0x1  }
0x2: {  	[smem:$0x3F9F] =	sst lr;
	_ =	strace $0xD0000000  }
0x3: {  	_ = 	snop  }
0x4: {  	_ = 	snop  }
0x5: {  	_ = 	snop  }
0x6: {  	_ = 	snop  }
0x7: {  	_ = 	snop  }
__scs_overlays_trampoline_lowered:
0x8: {  	[smem:$0x3FAE] =	sst s0  }
0x9: {  	[smem:$0x3FAF] =	sst s1  }
0xa: {  	[smem:$0x3FB0] =	sst s2  }
0xb: {  	[smem:$0x3FB1] =	sst s3  }
0xc: {  	[smem:$0x3FB2] =	sst s4  }
0xd: {  	[smem:$0x3FB3] =	sst s5  }
0xe: {  	[smem:$0x3FB4] =	sst s6  }
0xf: {  	[smem:$0x3FB5] =	sst s7  }
0x10: {  	[smem:$0x3FB6] =	sst s8  }
0x11: {  	[smem:$0x3FB7] =	sst s9;
	s0 =	simm.s32 @!p0 $0x0  }
0x12: {  	s1 =	sld [smem:$0x3F9D];
	s0 =	simm.s32 @p0 $0x1  }
0x13: {  	[smem:$0x3FB8] =	sst s0;
	s0 =	simm.s32 @!p1 $0x0  }
0x14: {  	s2 =	sld [smem:$0x3F9C];
	s0 =	simm.s32 @p1 $0x1  }
0x15: {  	[smem:$0x3FB9] =	sst s0;
	s0 =	simm.s32 @!p2 $0x0  }
0x16: {  	s3 =	sld [smem:$0x3FDB];
	s0 =	simm.s32 @p2 $0x1  }
0x17: {  	s4 =	simm.s32 $0x1BF5;
	[smem:$0x3FBB] =	sst s0  }
0x18: {  	s0 =	sld [smem:$0x3F9E];
	_ =	swait.ge [sflag:s4], $0x0  }
0x19: {  	s7 =	sld [smem:$0x3F9F]  }
0x1a: {  	s8 =	sadd.s32 $0xFFFFE003, lr  }
0x1b: {  	s9 =	sadd.s32 $0xFFFFFEF7, lr;
	s5 =	simm.s32 $0xFFFFFFFF;
	p2 =	slt.u32 s8, $0xFFFFF086  }
0x1c: {  	p1 =	slt.u32 s9, $0xF7A;
	s5 =	simm.s32 @!p2 $0x0  }
0x1d: {  	s5 =	simm.s32 @p1 $0x1;
	p0 =	seq.s32 s7, s2  }
0x1e: {  	s7 =	smul.u32 @!p0 $0xF7A, s2;
	p2 =	seq.s32 @!p0 s5, $0x0  }
0x1f: {  	s9 =	smul.u32 $0xF7A, s1;
	s8 =	simm.s32 @!p0 $0x1BF5;
	p2 =	por !p2, p0  }
0x20: {  	[sflag:s8] =	ssyncset.s32 @!p0 $0xFFFFF086;
	s6 =	sadd.s32 @!p0 s3, s7;
	s7 =	simm.s32 @!p0 $0x108  }
0x21: {  	s3 =	sadd.s32 s3, s9;
	s6 =	sadd.s32 @!p0 $0x88, s6;
	s7 =	simm.s32 @p2 $0x1082  }
0x22: {  	[simem:s7], [sflag:s8] =	dma.local @!p0 [hbm:s6], $0xF7A  }
0x23: {  	s9 =	sor.u32 $0xD0000000, s2;
	s6 =	simm.s32 $0x108;
	_ =	swait.ge @!p0 [sflag:s8], $0x0  }
0x24: {  	s3 =	sadd.s32 $0x88, s3;
	s6 =	simm.s32 @!p1 $0x1082;
	[sflag:s4] =	ssyncset.s32 $0xFFFFF086  }
0x25: {  	[simem:s6], [sflag:s4] =	dma.local [hbm:s3], $0xF7A  }
0x26: {  	[smem:$0x3F9F] =	sst s1;
	(tag) =	ssettag s2;
	_ =	strace s9  }
0x27: {  	s1 =	sld [smem:$0x3FAF]  }
0x28: {  	s2 =	sld [smem:$0x3FB0]  }
0x29: {  	s4 =	sld [smem:$0x3FB2]  }
0x2a: {  	p0 =	seq.s32 s5, $0x0;
	s5 =	sld [smem:$0x3FB3]  }
0x2b: {  	s6 =	sld [smem:$0x3FB4]  }
0x2c: {  	s7 =	sld [smem:$0x3FB5]  }
0x2d: {  	s3 =	simm.s32 $0x108;
	s8 =	sld [smem:$0x3FB6]  }
0x2e: {  	s3 =	simm.s32 @!p0 $0x1082;
	s9 =	sld [smem:$0x3FB7]  }
0x2f: {  	lr =	sadd.s32 s0, s3;
	s0 =	sld [smem:$0x3FAE]  }
0x30: {  	s3 =	sld [smem:$0x3FB1]  }
0x31: {  	[smem:$0x3FBA] =	sst s10  }
0x32: {  	s10 =	sld [smem:$0x3FB8];
	_ =	sdelay $0x3  }
0x33: {  	p0 =	seq.s32 s10, $0x1;
	s10 =	sld [smem:$0x3FBA];
	_ =	sdelay $0x3  }
0x34: {  	[smem:$0x3FBA] =	sst s10  }
0x35: {  	s10 =	sld [smem:$0x3FB9];
	_ =	sdelay $0x3  }
0x36: {  	p1 =	seq.s32 s10, $0x1;
	s10 =	sld [smem:$0x3FBA];
	_ =	sdelay $0x3  }
0x37: {  	[smem:$0x3FBA] =	sst s10  }
0x38: {  	s10 =	sld [smem:$0x3FBB]  }
0x39: {  	_ = 	snop;
	(pc) =	sbr.ind lr, $3  }
0x3a: {  	_ = 	snop  }
0x3b: {  	_ = 	snop  }
0x3c: {  	p2 =	seq.s32 s10, $0x1;
	s10 =	sld [smem:$0x3FBA]  }
0x3d: {  	_ =	shalt  }
0x3e: {  	_ =	shalt  }
0x3f: {  	_ =	shalt  }
0x40: {  	_ =	shalt  }
0x41: {  	_ =	shalt  }
0x42: {  	_ =	shalt  }
0x43: {  	_ =	shalt  }
0x44: {  	_ =	shalt  }
0x45: {  	_ =	shalt  }
0x46: {  	_ =	shalt  }
0x47: {  	_ =	shalt  }
0x48: {  	_ =	shalt  }
0x49: {  	_ =	shalt  }
0x4a: {  	_ =	shalt  }
0x4b: {  	_ =	shalt  }
0x4c: {  	_ =	shalt  }
0x4d: {  	_ =	shalt  }
0x4e: {  	_ =	shalt  }
0x4f: {  	_ =	shalt  }
0x50: {  	_ =	shalt  }
0x51: {  	_ =	shalt  }
0x52: {  	_ =	shalt  }
0x53: {  	_ =	shalt  }
0x54: {  	_ =	shalt  }
0x55: {  	_ =	shalt  }
0x56: {  	_ =	shalt  }
0x57: {  	_ =	shalt  }
0x58: {  	_ =	shalt  }
0x59: {  	_ =	shalt  }
0x5a: {  	_ =	shalt  }
0x5b: {  	_ =	shalt  }
0x5c: {  	_ =	shalt  }
0x5d: {  	_ =	shalt  }
0x5e: {  	_ =	shalt  }
0x5f: {  	_ =	shalt  }
0x60: {  	_ =	shalt  }
0x61: {  	_ =	shalt  }
0x62: {  	_ =	shalt  }
0x63: {  	_ =	shalt  }
0x64: {  	_ =	shalt  }
0x65: {  	_ =	shalt  }
0x66: {  	_ =	shalt  }
0x67: {  	_ =	shalt  }
0x68: {  	_ =	shalt  }
0x69: {  	_ =	shalt  }
0x6a: {  	_ =	shalt  }
0x6b: {  	_ =	shalt  }
0x6c: {  	_ =	shalt  }
0x6d: {  	_ =	shalt  }
0x6e: {  	_ =	shalt  }
0x6f: {  	_ =	shalt  }
0x70: {  	_ =	shalt  }
0x71: {  	_ =	shalt  }
0x72: {  	_ =	shalt  }
0x73: {  	_ =	shalt  }
0x74: {  	_ =	shalt  }
0x75: {  	_ =	shalt  }
0x76: {  	_ =	shalt  }
0x77: {  	_ =	shalt  }
0x78: {  	_ =	shalt  }
0x79: {  	_ =	shalt  }
0x7a: {  	_ =	shalt  }
0x7b: {  	_ =	shalt  }
0x7c: {  	_ =	shalt  }
0x7d: {  	_ =	shalt  }
0x7e: {  	_ =	shalt  }
0x7f: {  	_ =	shalt  }
0x80: {  	_ =	shalt  }
0x81: {  	_ =	shalt  }
0x82: {  	_ =	shalt  }
0x83: {  	_ =	shalt  }
0x84: {  	_ =	shalt  }
0x85: {  	_ =	shalt  }
0x86: {  	_ =	shalt  }
0x87: {  	_ =	shalt  }
.Lfunc_end0:
.L_simem_size_0:
called_computation.1_lowered:
.L_overlay_start_0:
0x88: {  	s2 =	sld [smem:$0x3FD9]  }
0x89: {  	s3 =	sld [smem:$0x3FFE];
	_ =	sdelay $0x1  }
0x8a: {  	s1 =	srdreg.scid  }
0x8b: {  	s0 =	sand.u32 $0x1, s1  }
0x8c: {  	s17 =	sshll.u32 s0, $0xA;
	s2 =	sadd.s32 s3, s2  }
0x8d: {  	s2 =	sadd.s32 s2, s17  }
0x8e: {  	[smem:$0x3FC6] =	sst s2  }
0x8f: {  	_ = 	snop  }
0x90: {  	s2 =	sld [smem:$0x3FD0];
	(tm) =	ssettm $0x1  }
0x91: {  	s18 =	sld [smem:$0x3FFB];
	_ =	sdelay $0x3  }
0x92: {  	_ =	strace s18  }
0x93: {  	s3 =	sld [smem:$0x3FFC];
	_ =	sdelay $0x3  }
0x94: {  	_ =	strace s3  }
0x95: {  	s3 =	sld [smem:$0x3FFD];
	_ =	sdelay $0x3  }
0x96: {  	_ =	strace s3  }
0x97: {  	_ =	strace $0x8FFFFFFF  }
0x98: {  	s19 =	sld [smem:$0x3FDB];
	_ =	sdelay $0x1  }
0x99: {  	s4 =	simm.s32 $_scs_section_size  }
0x9a: {  	s5 =	simm.s32 $_size__tile_overlayer_lowered;
	s6 =	simm.s32 $_tile_overlayer_lowered  }
0x9b: {  	s22 =	simm.s32 $0x1BFF;
	s21 =	sshll.u32 s6, $0x1;
	s3 =	sadd.s32 s4, s19  }
0x9c: {  	s7 =	simm.s32 $0x0;
	s20 =	sshll.u32 s5, $0x1;
	s5 =	sadd.s32 s21, s3  }
0x9d: {  	[timem:s7], [sflag:s22] =	dma.local [hbm:s5], s20  }
0x9e: {  	_ =	swait.ge [sflag:s22], s20  }
0x9f: {  	s4 =	ssub.s32 $0x0, s20;
	[sflag:s22] =	ssyncset.done $0x0  }
0xa0: {  	[sflag:s22] =	ssyncadd.s32 s4;
	_ =	sdelay $0x1  }
0xa1: {  	s23 =	simm.s32 $0x1B8B  }
0xa2: {  	_ =	swait.ge [sflag:s23], $0x1  }
0xa3: {  	[sflag:s23] =	ssyncset.done $0x0  }
0xa4: {  	s25 =	simm.s32 $0x1B8E;
	s24 =	sld [smem:$0x3FFE];
	[sflag:s23] =	ssyncadd.s32 $0xFFFFFFFF  }
0xa5: {  	s26 =	simm.s32 $execute0_lowered;
	[smem:$0x3FD2] =	sst s25  }
0xa6: {  	s5 =	sshll.u32 s26, $0x1;
	_ =	strace $0x80000046;
	[dreg:$0x1] =	wrdreg $0xFFFFFFFF  }
0xa7: {  	s28 =	simm.s32 $_size_execute0_lowered;
	s3 =	sadd.s32 s3, s5;
	[dreg:$0x0] =	wrdreg $0x0  }
0xa8: {  	s5 =	sshll.u32 s28, $0x1;
	[dreg:$0x2] =	wrdreg s3  }
0xa9: {  	[dreg:$0x3] =	wrdreg s5  }
0xaa: {  	[dreg:$0x4] =	wrdreg $0xC0  }
0xab: {  	_ =	task [dreg:s7], $0x5FFFF  }
0xac: {  	[dreg:$0x1] =	wrdreg $0xFFFFFFFF  }
0xad: {  	[dreg:$0x0] =	wrdreg $0x60  }
0xae: {  	[dreg:$0x2] =	wrdreg s24  }
0xaf: {  	[dreg:$0x3] =	wrdreg s2  }
0xb0: {  	[dreg:$0x4] =	wrdreg $0x12C000  }
0xb1: {  	[dreg:$0x5] =	wrdreg $0x9  }
0xb2: {  	_ =	task.clear_ibuf [dreg:s7], $0x6FFFF;
	_ =	strace $0x90000046  }
0xb3: {  	s29 =	simm.s32 $0x9;
	_ =	strace $0x80000048  }
0xb4: {  	_ =	swait.ge [sflag:s29], $0x1  }
0xb5: {  	[sflag:s29] =	ssyncadd.s32 $0xFFFFFFFF  }
0xb6: {  	_ =	strace $0x90000048  }
0xb7: {  	_ =	sfence  }
0xb8: {  	s30 =	sld [smem:$0x0];
	_ =	sdelay $0x2  }
0xb9: {  	s31 =	sshll.u32 s1, $0xD;
	s1 =	sshrl.u32 s1, $0x2  }
0xba: {  	s3 =	sand.u32 $0x4000, s31;
	s1 =	sadd.s32 s1, s30  }
0xbb: {  	s0 =	sor.u32 s3, s0;
	s1 =	sshll.u32 s1, $0x11  }
0xbc: {  	s0 =	sor.u32 s1, s0  }
0xbd: {  	s0 =	sadd.s32 $0x8F2B, s0  }
0xbe: {  	[sflag:s0] =	ssyncadd.remote.s32 $0x1  }
0xbf: {  	_ =	sfence.sel $0xFFFF  }
0xc0: {  	[dreg:$0x0] =	wrdreg $0xFFFFFFFF;
	(pc) =	sbr.abs _section_cstart, $3  }
0xc1: {  	[dreg:$0x1] =	wrdreg $0xFFFFFFFF  }
0xc2: {  	_ =	task.clear_ibuf [dreg:s7], $0x2FFFF;
	_ =	strace $0x9FFFFFFF  }
0xc3: {  	(tm) =	ssettm $0x7FFFFFFF  }
tec
execute0_lowered:
.L_overlay_start_1:
0x0: {  	(tag) =	ssettag $0x1  }
0x1: {  	s4 =	rddreg [dreg:$0x0];
	s1 =	srdreg.scid  }
0x2: {  	s0 =	stileid.u32;
	s3 =	rddreg [dreg:$0x1]  }
0x3: {  	s31 =	simm.s32 $0x11300;
	s5 =	sand.u32 $0x1, s1;
	s2 =	sshll.u32 s0, $0x1  }
0x4: {  	s1 =	rddreg [dreg:$0x2];
	s7 =	smul.u32 $0x320000, s0;
	p0 =	sne.s32 s0, $0x0  }
0x5: {  	s6 =	sor.u32 s5, s2;
	s2 =	simm.s32 $0x0;
	s9 =	smul.u32 $0x190000, s5  }
0x6: {  	s8 =	ssub.s32 $0x2, s5;
	s6 =	smul.u32 $0xC80, s6;
	[smem:$0x7FF] =	sst s2  }
0x7: {  	s5 =	smul.u32 $0x32000, s5;
	s11 =	sshrl.u32 s8, $0x1;
	_ =	strace $0x80000047  }
0x8: {  	s18 =	sadd.s32 s9, s7;
	s6 =	sadd.s32 s6, s4;
	s4 =	sadd.s32 $0xA00, s4  }
0x9: {  	s12 =	sor.u32 $0xBB80, s18;
	s13 =	sor.u32 $0xAF00, s18;
	s15 =	sor.u32 $0xA280, s18  }
0xa: {  	s17 =	sor.u32 $0x9600, s18;
	s9 =	sor.u32 $0x8980, s18;
	s20 =	sor.u32 $0x7080, s18  }
0xb: {  	s22 =	sor.u32 $0x4B00, s18;
	s23 =	sor.u32 $0x3E80, s18;
	s26 =	sor.u32 $0x2580, s18  }
0xc: {  	s28 =	sor.u32 $0x1900, s18;
	[dreg:$0x4] =	wrdreg s4;
	s4 =	ssub.s32 s8, s11  }
0xd: {  	s6 =	sadd.s32 $0x2A00, s6;
	s14 =	sshrl.u32 s13, $0x3;
	s16 =	sshrl.u32 s15, $0x3  }
0xe: {  	s10 =	sshrl.u32 s9, $0x3;
	s11 =	sor.u32 $0x7D00, s18;
	s13 =	smul.u32 $0x64000, s0  }
0xf: {  	s24 =	sshrl.u32 s23, $0x3;
	s29 =	sshrl.u32 s28, $0x3;
	s0 =	sshrl.u32 @!p0 s1, $0x3  }
0x10: {  	s23 =	simm.s32 $0x190;
	[dreg:$0x5] =	wrdreg s6;
	s4 =	smax.u32 s4, $0x1  }
0x11: {  	s7 =	sadd.s32 s14, s3;
	s8 =	sadd.s32 s16, s3;
	s10 =	sadd.s32 s10, s3  }
0x12: {  	s19 =	sshrl.u32 s11, $0x3;
	s14 =	sor.u32 $0x5780, s18;
	[dreg:$0x7] =	wrdreg s0  }
0x13: {  	s16 =	sor.u32 $0x3200, s18;
	s0 =	simm.s32 $0x11F80;
	[dreg:$0x6] =	wrdreg s4  }
0x14: {  	s4 =	sshrl.u32 s12, $0x3;
	s11 =	sadd.s32 s19, s3;
	s21 =	sadd.s32 s13, s3  }
0x15: {  	s14 =	sshrl.u32 s14, $0x3;
	s25 =	sshrl.u32 s16, $0x3;
	s16 =	sadd.s32 s24, s3  }
0x16: {  	s19 =	sor.u32 $0xC80, s18;
	s24 =	simm.s32 $0x6400;
	s6 =	sadd.s32 s4, s3  }
0x17: {  	s4 =	sshrl.u32 s17, $0x3;
	s13 =	sadd.s32 s5, s21;
	s14 =	sadd.s32 s14, s3  }
0x18: {  	s17 =	sadd.s32 s25, s3;
	s30 =	sshrl.u32 s19, $0x3;
	s19 =	sadd.s32 s29, s3  }
.Ltmp0:
0x19: {  	s25 =	simm.s32 $0xC800;
	s5 =	simm.s32 $0x2;
	(pc) =	sbr.rel .LBB2_1-.Ltmp0, $4  }
0x1a: {  	s9 =	sadd.s32 s4, s3;
	s4 =	sshrl.u32 s20, $0x3;
	s20 =	sadd.s32 s30, s3  }
0x1b: {  	s12 =	sadd.s32 s4, s3;
	s4 =	sshrl.u32 s22, $0x3;
	s22 =	simm.s32 $0x0  }
0x1c: {  	s15 =	sadd.s32 s4, s3;
	s4 =	sshrl.u32 s26, $0x3;
	s26 =	simm.s32 $0x1  }
0x1d: {  	s18 =	sadd.s32 s4, s3;
	s3 =	simm.s32 $0x3;
	s4 =	simm.s32 $0x4  }
.LBB2_4:
0x1e: {  	_ =	swait.ge [sflag:s4], $0xC80  }
0x1f: {  	[sflag:s4] =	ssyncset.done $0x0  }
0x20: {  	[sflag:s4] =	ssyncadd.s32 $0xFFFFF380  }
0x21: {  	_ =	swait.ge [sflag:s4], $0xC80  }
0x22: {  	[sflag:s4] =	ssyncset.done $0x0  }
0x23: {  	[sflag:s4] =	ssyncadd.s32 $0xFFFFF380  }
0x24: {  	_ =	swait.ge [sflag:s4], $0xC80  }
0x25: {  	[sflag:s4] =	ssyncset.done $0x0  }
0x26: {  	[sflag:s4] =	ssyncadd.s32 $0xFFFFF380  }
0x27: {  	_ =	swait.ge [sflag:s4], $0xC80  }
0x28: {  	[sflag:s4] =	ssyncset.done $0x0  }
0x29: {  	[sflag:s4] =	ssyncadd.s32 $0xFFFFF380  }
0x2a: {  	_ =	swait.ge [sflag:s4], $0xC80  }
0x2b: {  	[sflag:s4] =	ssyncset.done $0x0  }
0x2c: {  	[sflag:s4] =	ssyncadd.s32 $0xFFFFF380  }
0x2d: {  	_ =	swait.ge [sflag:s4], $0xC80  }
0x2e: {  	[sflag:s4] =	ssyncset.done $0x0  }
0x2f: {  	[sflag:s4] =	ssyncadd.s32 $0xFFFFF380  }
0x30: {  	_ =	swait.ge [sflag:s4], $0xC80  }
0x31: {  	[sflag:s4] =	ssyncset.done $0x0  }
0x32: {  	[sflag:s4] =	ssyncadd.s32 $0xFFFFF380  }
0x33: {  	_ =	swait.ge [sflag:s4], $0xC80  }
0x34: {  	s22 =	rddreg [dreg:$0x8]  }
0x35: {  	s21 =	rddreg [dreg:$0x6];
	s22 =	sadd.s32 $0x1, s22  }
0x36: {  	p1 =	sne.s32 s22, s21  }
.Ltmp1:
0x37: {  	_ = 	snop;
	(pc) =	sbr.rel @!p1 .LBB2_5-.Ltmp1, $3  }
0x38: {  	_ =	sdelay $0x1  }
0x39: {  	[sflag:s4] =	ssyncset.done $0x0  }
0x3a: {  	[sflag:s4] =	ssyncadd.s32 $0xFFFFF380  }
.LBB2_1:
0x3b: {  	[dreg:$0x8] =	wrdreg s22  }
0x3c: {  	s22 =	rddreg [dreg:$0x4]  }
0x3d: {  	s21 =	simm.s32 @!p0 $0x1C05;
	s28 =	rddreg [dreg:$0x7]  }
0x3e: {  	[spmem:s28], [sflag:s21] =	dma.local @!p0 [hbm:s22], $0x1F40  }
0x3f: {  	s21 =	simm.s32 @!p0 $0x5  }
0x40: {  	_ =	swait.ge @!p0 [sflag:s21], $0x1F40  }
0x41: {  	[sflag:s21] =	ssyncset.done @!p0 $0x0  }
0x42: {  	s30 =	simm.s32 $0x5;
	s29 =	rddreg [dreg:$0x5];
	[sflag:s21] =	ssyncadd.s32 @!p0 $0xFFFFE0C0  }
0x43: {  	[tilespmem:s2], [sflag:$0x5] =	stream.linear.gather [hbm4b:s29+s2], $0x6400, $0x38;
	[tilespmem:$0x13BA0] =	vst v63  }
0x44: {  	_ =	swait.ge [sflag:s30], $0x6400  }
0x45: {  	[sflag:s30] =	ssyncset.done $0x0  }
0x46: {  	[sflag:s30] =	ssyncadd.s32 $0xFFFF9C00  }
0x47: {  	[bflag:$0x0] =	sbarrier.arrive $0xFFFF  }
0x48: {  	[tilespmem:s24], [sflag:$0x1] =	stream.indirect.gather [spmem:s1], $0x40, s2, s23, $0xb8;
	[tilespmem:$0x13BA0] =	vst v63  }
0x49: {  	s22 =	simm.s32 $0x0;
	s21 =	simm.s32 $0x4B0  }
0x4a: {  	[tilespmem:s25], [sflag:$0x2] =	stream.indirect.gather [spmem:s1], $0x40, s23, s23, $0xb8;
	[tilespmem:$0x13BA0] =	vst v63  }
.LBB2_2:
0x4b: {  	_ =	swait.ge [sflag:s26], $0x6400  }
0x4c: {  	[sflag:s26] =	ssyncset.done $0x0  }
0x4d: {  	s28 =	sadd.s32 s22, s13;
	[sflag:s26] =	ssyncadd.s32 $0xFFFF9C00  }
0x4e: {  	[hbm4b:s28+s2] =	stream.linear.scatter [tilespmem:s24], [sflag:$0x3], $0xC80, $0x38;
	[tilespmem:$0x13BA0] =	vst v63  }
0x4f: {  	s29 =	sadd.s32 s22, s20;
	s30 =	simm.s32 $0x7080  }
0x50: {  	[hbm4b:s29+s2] =	stream.linear.scatter [tilespmem:s30], [sflag:$0x3], $0xC80, $0x38;
	[tilespmem:$0x13BA0] =	vst v63  }
0x51: {  	s29 =	sadd.s32 s22, s19;
	s30 =	simm.s32 $0x7D00  }
0x52: {  	[hbm4b:s29+s2] =	stream.linear.scatter [tilespmem:s30], [sflag:$0x3], $0xC80, $0x38;
	[tilespmem:$0x13BA0] =	vst v63  }
0x53: {  	s29 =	sadd.s32 s22, s18;
	s30 =	simm.s32 $0x8980  }
0x54: {  	[hbm4b:s29+s2] =	stream.linear.scatter [tilespmem:s30], [sflag:$0x3], $0xC80, $0x38;
	[tilespmem:$0x13BA0] =	vst v63  }
0x55: {  	s29 =	sadd.s32 s22, s17;
	s30 =	simm.s32 $0x9600  }
0x56: {  	[hbm4b:s29+s2] =	stream.linear.scatter [tilespmem:s30], [sflag:$0x3], $0xC80, $0x38;
	[tilespmem:$0x13BA0] =	vst v63  }
0x57: {  	s29 =	sadd.s32 s22, s16;
	s30 =	simm.s32 $0xA280  }
0x58: {  	[hbm4b:s29+s2] =	stream.linear.scatter [tilespmem:s30], [sflag:$0x3], $0xC80, $0x38;
	[tilespmem:$0x13BA0] =	vst v63  }
0x59: {  	s29 =	sadd.s32 s22, s15;
	s30 =	simm.s32 $0xAF00  }
0x5a: {  	[hbm4b:s29+s2] =	stream.linear.scatter [tilespmem:s30], [sflag:$0x3], $0xC80, $0x38;
	[tilespmem:$0x13BA0] =	vst v63  }
0x5b: {  	s29 =	sadd.s32 s22, s14;
	s30 =	simm.s32 $0xBB80  }
0x5c: {  	[hbm4b:s29+s2] =	stream.linear.scatter [tilespmem:s30], [sflag:$0x3], $0xC80, $0x38;
	[tilespmem:$0x13BA0] =	vst v63  }
0x5d: {  	_ =	swait.ge [sflag:s5], $0x6400  }
0x5e: {  	[sflag:s5] =	ssyncset.done $0x0  }
0x5f: {  	s28 =	sadd.s32 $0xC80, s28;
	[sflag:s5] =	ssyncadd.s32 $0xFFFF9C00  }
0x60: {  	[hbm4b:s28+s2] =	stream.linear.scatter [tilespmem:s25], [sflag:$0x4], $0xC80, $0x38;
	[tilespmem:$0x13BA0] =	vst v63  }
0x61: {  	s30 =	simm.s32 $0xD480;
	s28 =	sadd.s32 s22, s12  }
0x62: {  	[hbm4b:s28+s2] =	stream.linear.scatter [tilespmem:s30], [sflag:$0x4], $0xC80, $0x38;
	[tilespmem:$0x13BA0] =	vst v63  }
0x63: {  	s28 =	sadd.s32 s22, s11;
	s30 =	simm.s32 $0xE100  }
0x64: {  	[hbm4b:s28+s2] =	stream.linear.scatter [tilespmem:s30], [sflag:$0x4], $0xC80, $0x38;
	[tilespmem:$0x13BA0] =	vst v63  }
0x65: {  	s28 =	sadd.s32 s22, s10;
	s30 =	simm.s32 $0xED80  }
0x66: {  	[hbm4b:s28+s2] =	stream.linear.scatter [tilespmem:s30], [sflag:$0x4], $0xC80, $0x38;
	[tilespmem:$0x13BA0] =	vst v63  }
0x67: {  	s28 =	sadd.s32 s22, s9;
	s30 =	simm.s32 $0xFA00  }
0x68: {  	[hbm4b:s28+s2] =	stream.linear.scatter [tilespmem:s30], [sflag:$0x4], $0xC80, $0x38;
	[tilespmem:$0x13BA0] =	vst v63  }
0x69: {  	s28 =	sadd.s32 s22, s8;
	s30 =	simm.s32 $0x10680  }
0x6a: {  	[hbm4b:s28+s2] =	stream.linear.scatter [tilespmem:s30], [sflag:$0x4], $0xC80, $0x38;
	[tilespmem:$0x13BA0] =	vst v63  }
0x6b: {  	s29 =	sadd.s32 s22, s7  }
0x6c: {  	[hbm4b:s29+s2] =	stream.linear.scatter [tilespmem:s31], [sflag:$0x4], $0xC80, $0x38;
	[tilespmem:$0x13BA0] =	vst v63  }
0x6d: {  	s30 =	sadd.s32 s22, s6  }
0x6e: {  	[hbm4b:s30+s2] =	stream.linear.scatter [tilespmem:s0], [sflag:$0x4], $0xC80, $0x38;
	[tilespmem:$0x13BA0] =	vst v63  }
0x6f: {  	_ =	swait.ge [sflag:s3], $0xC80  }
0x70: {  	[sflag:s3] =	ssyncset.done $0x0  }
0x71: {  	[sflag:s3] =	ssyncadd.s32 $0xFFFFF380  }
0x72: {  	_ =	swait.ge [sflag:s3], $0xC80  }
0x73: {  	[sflag:s3] =	ssyncset.done $0x0  }
0x74: {  	[sflag:s3] =	ssyncadd.s32 $0xFFFFF380  }
0x75: {  	_ =	swait.ge [sflag:s3], $0xC80  }
0x76: {  	[sflag:s3] =	ssyncset.done $0x0  }
0x77: {  	[sflag:s3] =	ssyncadd.s32 $0xFFFFF380  }
0x78: {  	_ =	swait.ge [sflag:s3], $0xC80  }
0x79: {  	[sflag:s3] =	ssyncset.done $0x0  }
0x7a: {  	[sflag:s3] =	ssyncadd.s32 $0xFFFFF380  }
0x7b: {  	_ =	swait.ge [sflag:s3], $0xC80  }
0x7c: {  	[sflag:s3] =	ssyncset.done $0x0  }
0x7d: {  	[sflag:s3] =	ssyncadd.s32 $0xFFFFF380  }
0x7e: {  	_ =	swait.ge [sflag:s3], $0xC80  }
0x7f: {  	[sflag:s3] =	ssyncset.done $0x0  }
0x80: {  	[sflag:s3] =	ssyncadd.s32 $0xFFFFF380  }
0x81: {  	p1 =	seq.s32 s22, $0x30700;
	_ =	swait.ge [sflag:s3], $0xC80  }
.Ltmp2:
0x82: {  	[sflag:s3] =	ssyncset.done $0x0;
	(pc) =	sbr.rel @p1 .LBB2_4-.Ltmp2, $4  }
0x83: {  	[sflag:s3] =	ssyncadd.s32 $0xFFFFF380  }
0x84: {  	_ =	swait.ge [sflag:s3], $0xC80  }
0x85: {  	[sflag:s3] =	ssyncset.done $0x0  }
0x86: {  	[sflag:s3] =	ssyncadd.s32 $0xFFFFF380  }
0x87: {  	s28 =	sadd.s32 $0xFFFFFE70, s21  }
0x88: {  	[tilespmem:s24], [sflag:$0x1] =	stream.indirect.gather [spmem:s1], $0x40, s28, s23, $0xb8;
	[tilespmem:$0x13BA0] =	vst v63  }
0x89: {  	_ =	swait.ge [sflag:s4], $0xC80  }
0x8a: {  	[sflag:s4] =	ssyncset.done $0x0  }
0x8b: {  	[sflag:s4] =	ssyncadd.s32 $0xFFFFF380  }
0x8c: {  	_ =	swait.ge [sflag:s4], $0xC80  }
0x8d: {  	[sflag:s4] =	ssyncset.done $0x0  }
0x8e: {  	[sflag:s4] =	ssyncadd.s32 $0xFFFFF380  }
0x8f: {  	_ =	swait.ge [sflag:s4], $0xC80  }
0x90: {  	[sflag:s4] =	ssyncset.done $0x0  }
0x91: {  	[sflag:s4] =	ssyncadd.s32 $0xFFFFF380  }
0x92: {  	_ =	swait.ge [sflag:s4], $0xC80  }
0x93: {  	[sflag:s4] =	ssyncset.done $0x0  }
0x94: {  	[sflag:s4] =	ssyncadd.s32 $0xFFFFF380  }
0x95: {  	_ =	swait.ge [sflag:s4], $0xC80  }
0x96: {  	[sflag:s4] =	ssyncset.done $0x0  }
0x97: {  	[sflag:s4] =	ssyncadd.s32 $0xFFFFF380  }
0x98: {  	_ =	swait.ge [sflag:s4], $0xC80  }
0x99: {  	[sflag:s4] =	ssyncset.done $0x0  }
0x9a: {  	[sflag:s4] =	ssyncadd.s32 $0xFFFFF380  }
0x9b: {  	_ =	swait.ge [sflag:s4], $0xC80  }
0x9c: {  	[sflag:s4] =	ssyncset.done $0x0  }
0x9d: {  	[sflag:s4] =	ssyncadd.s32 $0xFFFFF380  }
.Ltmp3:
0x9e: {  	_ =	swait.ge [sflag:s4], $0xC80;
	(pc) =	sbr.rel .LBB2_2-.Ltmp3, $4  }
0x9f: {  	[sflag:s4] =	ssyncset.done $0x0  }
0xa0: {  	[sflag:s4] =	ssyncadd.s32 $0xFFFFF380  }
0xa1: {  	[tilespmem:s25], [sflag:$0x2] =	stream.indirect.gather [spmem:s1], $0x40, s21, s23, $0xb8;
	[tilespmem:$0x13BA0] =	vst v63  }
0xa2: {  	s22 =	sadd.s32 $0x1900, s22;
	s21 =	sadd.s32 $0x320, s21  }
.LBB2_5:
0xa3: {  	_ =	sfence.sel $0x180000  }
0xa4: {  	[bflag:$0x0] =	sbarrier.arrive $0xFFFF  }
0xa5: {  	_ =	strace $0x90000047  }
0xa6: {  	[bflag:$0x2] =	sbarrier.arrive $0xFFFF  }
0xa7: {  	s0 =	rddreg [dreg:$0x3]  }
0xa8: {  	s0 =	sadd.s32 @!p0 $0x100000, s0  }
0xa9: {  	[sflag:s0] =	ssyncadd.tile.s32 @!p0 $0x1;
	_ =	shalt  }
.Lfunc_end2:
_tile_overlayer_lowered:
.L_overlay_start_2:
0xaa: {  	(tag) =	ssettag $0x2  }
0xab: {  	s0 =	rddreg [dreg:$0x0];
	s2 =	stileid.u32  }
0xac: {  	s1 =	rddreg [dreg:$0x1];
	p0 =	sne.s32 s2, $0x0  }
0xad: {  	s3 =	rddreg [dreg:$0x2];
	[bflag:$0x3] =	sbarrier.arrive $0xFFFF;
	s2 =	simm.s32 @!p0 $0x1C05  }
0xae: {  	[timem:s3], [sflag:s2] =	dma.local @!p0 [hbm:s0], s1  }
0xaf: {  	s0 =	simm.s32 @!p0 $0x5  }
0xb0: {  	_ =	swait.ge @!p0 [sflag:s0], s1  }
0xb1: {  	s1 =	ssub.s32 @!p0 $0x0, s1;
	[sflag:s0] =	ssyncset.done @!p0 $0x0  }
0xb2: {  	[sflag:s0] =	ssyncadd.s32 @!p0 s1  }
0xb3: {  	[bflag:$0x3] =	sbarrier.arrive $0xFFFF  }
0xb4: {  	_ =	shalt  }

// kernel: sparse-core-data-format-call.cloned.1.call-start
scs
called_computation_lowered:
.L_overlay_start_0:
0x0: {  	s2 =	sld [smem:$0x3FD9]  }
0x1: {  	s3 =	sld [smem:$0x3FFE];
	_ =	sdelay $0x1  }
0x2: {  	s1 =	srdreg.scid  }
0x3: {  	s0 =	sand.u32 $0x1, s1  }
0x4: {  	s18 =	sshll.u32 s0, $0xA;
	s2 =	sadd.s32 s3, s2  }
0x5: {  	s2 =	sadd.s32 s2, s18  }
0x6: {  	[smem:$0x3FC6] =	sst s2  }
0x7: {  	_ = 	snop  }
0x8: {  	s2 =	sld [smem:$0x3FD0];
	(tm) =	ssettm $0x1  }
0x9: {  	s19 =	sld [smem:$0x3FFB];
	_ =	sdelay $0x3  }
0xa: {  	_ =	strace s19  }
0xb: {  	s3 =	sld [smem:$0x3FFC];
	_ =	sdelay $0x3  }
0xc: {  	_ =	strace s3  }
0xd: {  	s3 =	sld [smem:$0x3FFD];
	_ =	sdelay $0x3  }
0xe: {  	_ =	strace s3  }
0xf: {  	_ =	strace $0x8FFFFFFF  }
0x10: {  	s20 =	sld [smem:$0x3FDB];
	_ =	sdelay $0x1  }
0x11: {  	s4 =	simm.s32 $_scs_section_size  }
0x12: {  	s5 =	simm.s32 $_size__tile_overlayer_lowered;
	s6 =	simm.s32 $_tile_overlayer_lowered  }
0x13: {  	s23 =	simm.s32 $0x1BFF;
	s22 =	sshll.u32 s6, $0x1;
	s3 =	sadd.s32 s4, s20  }
0x14: {  	s7 =	simm.s32 $0x0;
	s21 =	sshll.u32 s5, $0x1;
	s5 =	sadd.s32 s22, s3  }
0x15: {  	[timem:s7], [sflag:s23] =	dma.local [hbm:s5], s21  }
0x16: {  	_ =	swait.ge [sflag:s23], s21  }
0x17: {  	s4 =	ssub.s32 $0x0, s21;
	[sflag:s23] =	ssyncset.done $0x0  }
0x18: {  	[sflag:s23] =	ssyncadd.s32 s4;
	_ =	sdelay $0x1  }
0x19: {  	s24 =	simm.s32 $0x1B8B  }
0x1a: {  	_ =	swait.ge [sflag:s24], $0x1  }
0x1b: {  	[sflag:s24] =	ssyncset.done $0x0  }
0x1c: {  	s26 =	simm.s32 $0x1B8E;
	s25 =	sld [smem:$0x3FFE];
	[sflag:s24] =	ssyncadd.s32 $0xFFFFFFFF  }
0x1d: {  	s27 =	simm.s32 $execute0_lowered;
	[smem:$0x3FD2] =	sst s26  }
0x1e: {  	s5 =	sshll.u32 s27, $0x1;
	_ =	strace $0x80000049;
	[dreg:$0x1] =	wrdreg $0xFFFFFFFF  }
0x1f: {  	s28 =	simm.s32 $_size_execute0_lowered;
	s3 =	sadd.s32 s3, s5;
	[dreg:$0x0] =	wrdreg $0x0  }
0x20: {  	s5 =	sshll.u32 s28, $0x1;
	[dreg:$0x2] =	wrdreg s3  }
0x21: {  	[dreg:$0x3] =	wrdreg s5  }
0x22: {  	[dreg:$0x4] =	wrdreg $0xC0  }
0x23: {  	_ =	task [dreg:s7], $0x5FFFF  }
0x24: {  	[dreg:$0x1] =	wrdreg $0xFFFFFFFF  }
0x25: {  	[dreg:$0x0] =	wrdreg $0x60  }
0x26: {  	[dreg:$0x2] =	wrdreg s25  }
0x27: {  	[dreg:$0x3] =	wrdreg s2  }
0x28: {  	[dreg:$0x4] =	wrdreg $0x9  }
0x29: {  	_ =	task.clear_ibuf [dreg:s7], $0x5FFFF;
	_ =	strace $0x90000049  }
0x2a: {  	s29 =	simm.s32 $0x9;
	_ =	strace $0x8000004B  }
0x2b: {  	_ =	swait.ge [sflag:s29], $0x1  }
0x2c: {  	[sflag:s29] =	ssyncadd.s32 $0xFFFFFFFF  }
0x2d: {  	_ =	strace $0x9000004B  }
0x2e: {  	_ =	sfence  }
0x2f: {  	s30 =	sld [smem:$0x0];
	_ =	sdelay $0x2  }
0x30: {  	s31 =	sshll.u32 s1, $0xD;
	s1 =	sshrl.u32 s1, $0x2  }
0x31: {  	s3 =	sand.u32 $0x4000, s31;
	s1 =	sadd.s32 s1, s30  }
0x32: {  	s0 =	sor.u32 s3, s0;
	s1 =	sshll.u32 s1, $0x11  }
0x33: {  	s0 =	sor.u32 s1, s0  }
0x34: {  	s0 =	sadd.s32 $0x8F2B, s0  }
0x35: {  	[sflag:s0] =	ssyncadd.remote.s32 $0x1  }
0x36: {  	_ =	sfence.sel $0xFFFF  }
0x37: {  	[dreg:$0x0] =	wrdreg $0xFFFFFFFF;
	(pc) =	sbr.abs _section_cstart, $3  }
0x38: {  	[dreg:$0x1] =	wrdreg $0xFFFFFFFF  }
0x39: {  	_ =	task.clear_ibuf [dreg:s7], $0x2FFFF;
	_ =	strace $0x9FFFFFFF  }
0x3a: {  	(tm) =	ssettm $0x7FFFFFFF  }
0x3b: {  	_ =	shalt  }
tec
execute0_lowered:
.L_overlay_start_1:
0x0: {  	(tag) =	ssettag $0x1  }
0x1: {  	s0 =	srdreg.scid  }
0x2: {  	s1 =	sshll.u32 s0, $0x4  }
0x3: {  	s0 =	stileid.u32;
	s1 =	sand.u32 $0x10, s1  }
0x4: {  	s1 =	sor.u32 s0, s1  }
0x5: {  	s6 =	rddreg [dreg:$0x0];
	s4 =	simm.s32 $0x1;
	s2 =	sshll.u32 s1, $0x7  }
0x6: {  	s7 =	simm.s32 $0x2;
	s12 =	simm.s32 $0x0;
	s1 =	ssub.s32 $0x4000, s2  }
0x7: {  	s8 =	simm.s32 $0x20000;
	s13 =	simm.s32 $0x0;
	s3 =	sand.u32 $0xF80, s1  }
0x8: {  	s9 =	simm.s32 $0x0;
	s5 =	sshrl.u32 s1, $0xC;
	p0 =	sne.s32 s3, $0x0  }
.Ltmp0:
0x9: {  	s1 =	rddreg [dreg:$0x2];
	s4 =	simm.s32 @!p0 $0x0;
	(pc) =	sbr.rel .LBB1_1-.Ltmp0, $4  }
0xa: {  	s11 =	simm.s32 $0x0;
	s3 =	rddreg [dreg:$0x1];
	s5 =	sadd.s32 s4, s5  }
0xb: {  	_ =	strace $0x8000004A;
	s4 =	simm.s32 $0x1;
	s5 =	smul.u32 $0x32, s5  }
0xc: {  	s6 =	sadd.s32 $0xA00, s6;
	s10 =	smov.u32 s2;
	[sflag:s4] =	ssyncpa.u1 $0x0  }
0xd: {  	p0 =	por $0x0, $0x0;
	[sflag:s7] =	ssyncpa.u1 $0x0;
	s7 =	sor.u32 $0x1, s5  }
.LBB1_4:
0xe: {  	s16 =	sshll.u32 s13, $0x3;
	s17 =	sand.u32 $0x78, s13  }
0xf: {  	s30 =	sand.u32 $0x1F800, s13;
	s12 =	sshll.u32 s12, $0x11;
	s16 =	sand.u32 $0x3C00, s16  }
0x10: {  	[tilespmem:s15+$0x810 ss:$0x81] =	vst.msk $0xffff, v2;
	s31 =	sand.u32 $0x7, s13;
	s16 =	sor.u32 s17, s16;
	s17 =	sadd.s32 s3, s30  }
0x11: {  	[tilespmem:s15+$0x1020 ss:$0x81] =	vst.msk $0xffff, v0;
	s13 =	sshll.u32 s31, $0x12;
	s12 =	sadd.s32 s12, s17;
	s16 =	sshrl.u32 s16, $0x3  }
0x12: {  	[tilespmem:s15+$0x0 ss:$0x81] =	vst.msk $0xffff, v1;
	s13 =	sor.u32 $0x400, s13;
	s12 =	sadd.s32 s16, s12  }
0x13: {  	[hbm4b:s12+s13] =	stream.strided.scatter [tilespmem:s14], [sflag:$0x2], $0x2000, s8, s13, $0x20;
	[tilespmem:$0x8080] =	vst v63  }
.LBB1_5:
0x14: {  	s14 =	sadd.s32 $0x1, s9  }
0x15: {  	s12 =	sadd.s32 $0x1000, s10;
	s16 =	smov.u32 s10;
	p2 =	sgt.s32 s14, $0x31  }
0x16: {  	s16 =	smov.u32 @p2 s12  }
0x17: {  	s14 =	simm.s32 @p2 $0x0;
	p2 =	sgt.s32 s16, $0x3FFF  }
0x18: {  	s16 =	smov.u32 @p2 s2;
	p2 =	sne.s32 s11, s7  }
.Ltmp1:
0x19: {  	p1 =	slt.u32 s11, $0x2;
	(pc) =	sbr.rel @!p2 .LBB1_6-.Ltmp1, $4  }
0x1a: {  	s15 =	simm.s32 @!p1 $0x2  }
0x1b: {  	s13 =	smov.u32 s10;
	p0 =	por !p0, !p0;
	_ =	swait.ge @!p1 [sflag:s15], $0x2000  }
0x1c: {  	s12 =	smov.u32 s9;
	[sflag:s15] =	ssyncset.done @!p1 $0x0;
	s9 =	smov.u32 s14  }
0x1d: {  	s11 =	sadd.s32 $0x1, s11;
	[sflag:s15] =	ssyncadd.s32 @!p1 $0xFFFFE000;
	s10 =	smov.u32 s16  }
.LBB1_1:
0x1e: {  	p1 =	sge.u32 s11, s5  }
0x1f: {  	s14 =	sand.u32 @!p1 $0x1FFFFFF, s9  }
0x20: {  	s15 =	smulhi.u32 @!p1 $0x4924925, s14;
	_ =	sdelay $0x1  }
0x21: {  	s15 =	smul.u32 @!p1 $0x38, s15  }
0x22: {  	s16 =	sxor.u32 @!p1 $0xFFFFFFFF, s11;
	s17 =	smul.u32 @!p1 $0x380, s10  }
0x23: {  	s31 =	sadd.s32 $0xFFFFFFFF, s11;
	s16 =	sshll.u32 @!p1 s16, $0xD;
	s14 =	ssub.s32 @!p1 s14, s15  }
0x24: {  	s15 =	sand.u32 @!p1 $0x2000, s16;
	s16 =	sadd.s32 @!p1 s6, s17;
	s14 =	sshll.u32 @!p1 s14, $0x4  }
0x25: {  	s17 =	simm.s32 @!p1 $0x1C00;
	s14 =	sadd.s32 @!p1 s14, s16;
	s16 =	simm.s32 @!p1 $0x40  }
0x26: {  	[tilespmem:s15], [sflag:$0x1] =	stream.strided.gather @!p1 [hbm4b:s14+s16], $0x2000, s17, s16, $0x38;
	[tilespmem:$0x8080] =	vst v63  }
0x27: {  	p1 =	sge.u32 s31, s5  }
.Ltmp2:
0x28: {  	_ = 	snop;
	(pc) =	sbr.rel @p1 .LBB1_5-.Ltmp2, $1  }
0x29: {  	_ =	sdelay $0x3  }
0x2a: {  	s14 =	simm.s32 $0x1  }
0x2b: {  	_ =	swait.ge [sflag:s4], $0x2000;
	s14 =	simm.s32 @!p0 $0x0  }
0x2c: {  	[sflag:s4] =	ssyncset.done $0x0;
	s15 =	sshll.u32 s14, $0xD  }
0x2d: {  	[sflag:s4] =	ssyncadd.s32 $0xFFFFE000;
	s18 =	sor.u32 $0x20, s15  }
0x2e: {  	s14 =	smul.u32 $0x8100, s14;
	v3 =	vld [tilespmem:s18+$0x10]  }
0x2f: {  	s30 =	sand.u32 $0x1, s11;
	v2 =	vld [tilespmem:s18+$0xFFFFFFF0]  }
0x30: {  	s15 =	smul.u32 $0x8100, s30;
	s14 =	sshrl.u32 s14, $0x2;
	v0 =	vld [tilespmem:s18+$0x0]  }
0x31: {  	v1 =	vld [tilespmem:s18+$0xFFFFFFE0];
	s16 =	sor.u32 $0x4000, s14  }
0x32: {  	s31 =	sshrl.u32 s15, $0x2;
	s15 =	sadd.s32 $0x0, s16  }
0x33: {  	s17 =	simm.s32 $0x4;
	s18 =	sadd.s32 $0x40, s18;
	s14 =	sor.u32 $0x4000, s31;
	[tilespmem:s15+$0x1830 ss:$0x81] =	vst.msk $0xffff, v3  }
.LBB1_3:
0x34: {  	v3 =	vld [tilespmem:s18+$0x10];
	p1 =	sne.s32 s17, $0x1FC;
	[tilespmem:s15+$0x810 ss:$0x81] =	vst.msk $0xffff, v2;
	s19 =	smov.u32 s17;
	s17 =	sadd.s32 $0x4, s17  }
.Ltmp3:
0x35: {  	v2 =	vld [tilespmem:s18+$0xFFFFFFF0];
	[tilespmem:s15+$0x1020 ss:$0x81] =	vst.msk $0xffff, v0;
	(pc) =	sbr.rel @p1 .LBB1_3-.Ltmp3, $4  }
0x36: {  	v0 =	vld [tilespmem:s18+$0x0];
	[tilespmem:s15+$0x0 ss:$0x81] =	vst.msk $0xffff, v1  }
0x37: {  	s15 =	sshra.s32 s19, $0x2;
	v1 =	vld [tilespmem:s18+$0xFFFFFFE0]  }
0x38: {  	s15 =	sadd.s32 s15, s16  }
0x39: {  	s18 =	sadd.s32 $0x40, s18;
	[tilespmem:s15+$0x1830 ss:$0x81] =	vst.msk $0xffff, v3  }
.Ltmp4:
0x3a: {  	_ = 	snop;
	(pc) =	sbr.rel .LBB1_4-.Ltmp4, $1  }
0x3b: {  	_ =	sdelay $0x3  }
.LBB1_6:
0x3c: {  	_ =	sfence.sel $0x180000  }
0x3d: {  	s2 =	simm.s32 $0x1;
	[bflag:$0x0] =	sbarrier.arrive $0xFFFF  }
0x3e: {  	s31 =	simm.s32 $0x2;
	[sflag:s2] =	ssyncpa.u1 $0x1  }
0x3f: {  	[sflag:s31] =	ssyncpa.u1 $0x1  }
0x40: {  	p0 =	sne.s32 s0, $0x0;
	_ =	strace $0x9000004A  }
0x41: {  	s0 =	sadd.s32 @!p0 $0x100000, s1;
	[bflag:$0x2] =	sbarrier.arrive $0xFFFF  }
0x42: {  	[sflag:s0] =	ssyncadd.tile.s32 @!p0 $0x1;
	_ =	shalt  }
.Lfunc_end1:
_tile_overlayer_lowered:
.L_overlay_start_2:
0x43: {  	(tag) =	ssettag $0x2  }
0x44: {  	s0 =	rddreg [dreg:$0x0];
	s2 =	stileid.u32  }
0x45: {  	s1 =	rddreg [dreg:$0x1];
	p0 =	sne.s32 s2, $0x0  }
0x46: {  	s3 =	rddreg [dreg:$0x2];
	[bflag:$0x3] =	sbarrier.arrive $0xFFFF;
	s2 =	simm.s32 @!p0 $0x1C01  }
0x47: {  	[timem:s3], [sflag:s2] =	dma.local @!p0 [hbm:s0], s1  }
0x48: {  	s0 =	simm.s32 @!p0 $0x1  }
0x49: {  	_ =	swait.ge @!p0 [sflag:s0], s1  }
0x4a: {  	s1 =	ssub.s32 @!p0 $0x0, s1;
	[sflag:s0] =	ssyncset.done @!p0 $0x0  }
0x4b: {  	[sflag:s0] =	ssyncadd.s32 @!p0 s1  }
0x4c: {  	[bflag:$0x3] =	sbarrier.arrive $0xFFFF  }
0x4d: {  	_ =	shalt  }

</sc_bundles>
